<compile_context>
chip_gen: v7x
topology: tpu7x:2x2x1
jax: 0.10.2.dev20260603
libtpu: 0.0.44.dev20260713+nightly
codegen_flags: <defaults>
</compile_context>

<pallas_src>
import jax
import jax.numpy as jnp
from jax import lax
from jax.experimental import pallas as pl
from jax.experimental.pallas import tpu as pltpu
from jax.experimental.pallas import tpu_sc as plsc

NUM_ENT = 100000
HDIM = 128
NUM_REL = 16
B = 16384

NC, NS, L = 2, 16, 16
NW = NC * NS
CHUNK = B // NW
SUB = 128
NSUB = CHUNK // SUB
NBLK = HDIM // L

_DNUMS = lax.GatherDimensionNumbers(
    offset_dims=(), collapsed_slice_dims=(0,), start_index_map=(0,))


def _splat(vec, idx):
    return lax.gather(vec, idx[:, None], _DNUMS, (1,),
                      mode=lax.GatherScatterMode.PROMISE_IN_BOUNDS)


def _body(x_hbm, y_hbm, r_hbm, tab_hbm, R_hbm, out_hbm,
          xi0, xi1, yi0, yi1, rv, Rv, xr0, xr1, yr0, yr1, sc,
          sx0, sx1, sy0, sy1, six0, six1, siy0, siy1, srv, sRv):
    wid = lax.axis_index("s") * NC + lax.axis_index("c")
    base = wid * CHUNK
    xis, yis = [xi0, xi1], [yi0, yi1]
    xrs, yrs = [xr0, xr1], [yr0, yr1]
    sxs, sys_ = [sx0, sx1], [sy0, sy1]
    sixs, siys = [six0, six1], [siy0, siy1]

    crv = pltpu.async_copy(r_hbm.at[pl.ds(base, CHUNK)], rv, srv)
    cRv = pltpu.async_copy(R_hbm, Rv, sRv)

    def start(sub):
        k = sub % 2
        off = base + sub * SUB
        cix = pltpu.async_copy(x_hbm.at[pl.ds(off, SUB)], xis[k], sixs[k])
        ciy = pltpu.async_copy(y_hbm.at[pl.ds(off, SUB)], yis[k], siys[k])
        cix.wait()
        cx = pltpu.async_copy(tab_hbm.at[xis[k]], xrs[k], sxs[k])
        ciy.wait()
        cy = pltpu.async_copy(tab_hbm.at[yis[k]], yrs[k], sys_[k])
        return cx, cy

    lane = lax.broadcasted_iota(jnp.int32, (L,), 0)
    last = jnp.full((L,), L - 1, jnp.int32)
    pend = start(0)
    crv.wait()
    cRv.wait()
    for sub in range(NSUB):
        k = sub % 2
        cx, cy = pend
        if sub + 1 < NSUB:
            pend = start(sub + 1)
        cx.wait()
        cy.wait()
        xr, yr = xrs[k], yrs[k]

        def gbody(g, _, xr=xr, yr=yr, sub=sub):
            goff = g * L
            rvec = rv[pl.ds(sub * SUB + goff, L)]

            def ebody(j, out, xr=xr, yr=yr):
                e = goff + j
                re = _splat(rvec, jnp.full((L,), j, jnp.int32))
                parts = [xr[e, pl.ds(blk * L, L)]
                         * yr[e, pl.ds(blk * L, L)]
                         * plsc.load_gather(Rv, [re, lane + blk * L])
                         for blk in range(NBLK)]
                while len(parts) > 1:
                    parts = [parts[i] + parts[i + 1]
                             for i in range(0, len(parts) - 1, 2)] + (
                                 [parts[-1]] if len(parts) % 2 else [])
                tot = _splat(jnp.cumsum(parts[0]), last)
                return jnp.where(lane == j, tot, out)

            out = lax.fori_loop(0, L, ebody, jnp.zeros((L,), jnp.float32),
                                unroll=2)
            sc[pl.ds(sub * SUB + goff, L)] = out
            return 0

        lax.fori_loop(0, SUB // L, gbody, 0)

    pltpu.sync_copy(sc, out_hbm.at[pl.ds(base, CHUNK)])


@jax.jit
def kernel(x, y, r, emb_table, R):
    mesh = plsc.VectorSubcoreMesh(core_axis_name="c", subcore_axis_name="s")
    return pl.kernel(
        _body,
        out_type=jax.ShapeDtypeStruct((B,), jnp.float32),
        mesh=mesh,
        compiler_params=pltpu.CompilerParams(needs_layout_passes=False),
        scratch_types=[
            pltpu.VMEM((SUB,), jnp.int32),
            pltpu.VMEM((SUB,), jnp.int32),
            pltpu.VMEM((SUB,), jnp.int32),
            pltpu.VMEM((SUB,), jnp.int32),
            pltpu.VMEM((CHUNK,), jnp.int32),
            pltpu.VMEM((NUM_REL, HDIM), jnp.float32),
            pltpu.VMEM((SUB, HDIM), jnp.float32),
            pltpu.VMEM((SUB, HDIM), jnp.float32),
            pltpu.VMEM((SUB, HDIM), jnp.float32),
            pltpu.VMEM((SUB, HDIM), jnp.float32),
            pltpu.VMEM((CHUNK,), jnp.float32),
            pltpu.SemaphoreType.DMA,
            pltpu.SemaphoreType.DMA,
            pltpu.SemaphoreType.DMA,
            pltpu.SemaphoreType.DMA,
            pltpu.SemaphoreType.DMA,
            pltpu.SemaphoreType.DMA,
            pltpu.SemaphoreType.DMA,
            pltpu.SemaphoreType.DMA,
            pltpu.SemaphoreType.DMA,
            pltpu.SemaphoreType.DMA,
        ],
    )(x, y, r, emb_table, R)

# --- scband reference (transcript-rebuilt; emitter-appended) ---
"""Pipeline reference for scband-link-prediction-model-11982958755846 (READ-ONLY COPY).

The authoritative reference and input builder live on the scoring server;
editing this copy changes nothing except your own understanding.
"""

import jax, jax.numpy as jnp
import numpy as np

NUM_ENT = 100000
HDIM = 128
NUM_REL = 16
B = 16384


def setup_inputs(seed: int = 0) -> dict:
    key = jax.random.key(seed)
    k1, k2, k3, k4, k5 = jax.random.split(key, 5)
    x = jax.random.randint(k1, (B,), 0, NUM_ENT, dtype=jnp.int32)
    y = jax.random.randint(k2, (B,), 0, NUM_ENT, dtype=jnp.int32)
    r = jax.random.randint(k3, (B,), 0, NUM_REL, dtype=jnp.int32)
    # learned parameters: entity embedding table (graph_embedding_model) and relation matrix R
    emb_table = jax.random.normal(k4, (NUM_ENT, HDIM), dtype=jnp.float32) * 0.02
    R = jax.random.normal(k5, (NUM_REL, HDIM), dtype=jnp.float32)
    return {"x": x, "y": y, "r": r, "emb_table": emb_table, "R": R}


def reference(x, y, r, emb_table, R):
    # LinkPredictionModel.forward with mode='Distmult', external_rel_embs=False:
    #   x, y = self.model(torch.cat((x, y))).view(2, -1, hdim)
    #   rel = self.R[r]
    #   return (x * rel * y).sum(-1)
    idx = jnp.concatenate([x, y], axis=0)
    emb = jnp.take(emb_table, idx, axis=0)          # embedding gather (SparseCore)
    hx, hy = emb.reshape(2, -1, HDIM)
    rel = jnp.take(R, r, axis=0)                    # relation gather
    scores = (hx * rel * hy).sum(-1)
    return scores

if __name__ == "__main__":
    import jax
    _d = setup_inputs()
    print(jax.jit(kernel)(*tuple(_d.values())))

</pallas_src>

<mosaic_0001>
#map = affine_map<(d0, d1) -> (0)>
#map1 = affine_map<(d0, d1) -> (0, 0)>
module attributes {stable_mosaic.version = 14 : i64} {
  func.func @_body(%arg0: i32, %arg1: i32, %arg2: memref<16384xi32, #tpu.memory_space<hbm>>, %arg3: memref<16384xi32, #tpu.memory_space<hbm>>, %arg4: memref<16384xi32, #tpu.memory_space<hbm>>, %arg5: memref<100000x128xf32, #tpu.memory_space<hbm>>, %arg6: memref<16x128xf32, #tpu.memory_space<hbm>>, %arg7: memref<16384xf32, #tpu.memory_space<hbm>>, %arg8: memref<128xi32, #tpu.memory_space<vmem>>, %arg9: memref<128xi32, #tpu.memory_space<vmem>>, %arg10: memref<128xi32, #tpu.memory_space<vmem>>, %arg11: memref<128xi32, #tpu.memory_space<vmem>>, %arg12: memref<512xi32, #tpu.memory_space<vmem>>, %arg13: memref<16x128xf32, #tpu.memory_space<vmem>>, %arg14: memref<128x128xf32, #tpu.memory_space<vmem>>, %arg15: memref<128x128xf32, #tpu.memory_space<vmem>>, %arg16: memref<128x128xf32, #tpu.memory_space<vmem>>, %arg17: memref<128x128xf32, #tpu.memory_space<vmem>>, %arg18: memref<512xf32, #tpu.memory_space<vmem>>, %arg19: memref<!tpu.dma_semaphore, #tpu.memory_space<semaphore_mem>>, %arg20: memref<!tpu.dma_semaphore, #tpu.memory_space<semaphore_mem>>, %arg21: memref<!tpu.dma_semaphore, #tpu.memory_space<semaphore_mem>>, %arg22: memref<!tpu.dma_semaphore, #tpu.memory_space<semaphore_mem>>, %arg23: memref<!tpu.dma_semaphore, #tpu.memory_space<semaphore_mem>>, %arg24: memref<!tpu.dma_semaphore, #tpu.memory_space<semaphore_mem>>, %arg25: memref<!tpu.dma_semaphore, #tpu.memory_space<semaphore_mem>>, %arg26: memref<!tpu.dma_semaphore, #tpu.memory_space<semaphore_mem>>, %arg27: memref<!tpu.dma_semaphore, #tpu.memory_space<semaphore_mem>>, %arg28: memref<!tpu.dma_semaphore, #tpu.memory_space<semaphore_mem>>) attributes {dimension_semantics = [#tpu.dimension_semantics<core_parallel>, #tpu.dimension_semantics<subcore_parallel>], iteration_bounds = array<i64: 2, 16>, scalar_prefetch = 0 : i64, scratch_operands = 21 : i64, tpu.core_type = #tpu.core_type<sc_vector_subcore>, window_params = [{transform_indices = #map}, {transform_indices = #map}, {transform_indices = #map}, {transform_indices = #map1}, {transform_indices = #map1}, {transform_indices = #map}]} {
    %mul3A = arith.constant 2 : i32
    %mul3A_0 = arith.muli %arg1, %mul3A : i32
    %add3A = arith.addi %mul3A_0, %arg0 : i32
    %mul3A_1 = arith.constant 512 : i32
    %mul3A_2 = arith.muli %add3A, %mul3A_1 : i32
    %dma_start3A = tpu.memref_slice %arg4[%mul3A_2] : memref<16384xi32, #tpu.memory_space<hbm>> -> memref<512xi32, #tpu.memory_space<hbm>>
    %dma_start3A_3 = tpu.memref_slice %arg4[%mul3A_2] : memref<16384xi32, #tpu.memory_space<hbm>> -> memref<512xi32, #tpu.memory_space<hbm>>
    tpu.enqueue_dma source(%dma_start3A_3 : memref<512xi32, #tpu.memory_space<hbm>>) target(%arg12 : memref<512xi32, #tpu.memory_space<vmem>>) target_semaphore(%arg27 : memref<!tpu.dma_semaphore, #tpu.memory_space<semaphore_mem>>)
    tpu.enqueue_dma source(%arg6 : memref<16x128xf32, #tpu.memory_space<hbm>>) target(%arg13 : memref<16x128xf32, #tpu.memory_space<vmem>>) target_semaphore(%arg28 : memref<!tpu.dma_semaphore, #tpu.memory_space<semaphore_mem>>)
    %iota3A = tpu.iota {dimensions = array<i32: 0>} : vector<16xi32>
    %broadcast_in_dim3A = arith.constant 15 : i32
    %broadcast_in_dim3A_4 = vector.broadcast %broadcast_in_dim3A : i32 to vector<16xi32>
    %add3A_5 = arith.constant 0 : i32
    %add3A_6 = arith.addi %mul3A_2, %add3A_5 : i32
    %dma_start3A_7 = tpu.memref_slice %arg2[%add3A_6] : memref<16384xi32, #tpu.memory_space<hbm>> -> memref<128xi32, #tpu.memory_space<hbm>>
    %dma_start3A_8 = tpu.memref_slice %arg2[%add3A_6] : memref<16384xi32, #tpu.memory_space<hbm>> -> memref<128xi32, #tpu.memory_space<hbm>>
    tpu.enqueue_dma source(%dma_start3A_8 : memref<128xi32, #tpu.memory_space<hbm>>) target(%arg8 : memref<128xi32, #tpu.memory_space<vmem>>) target_semaphore(%arg23 : memref<!tpu.dma_semaphore, #tpu.memory_space<semaphore_mem>>)
    %dma_start3A_9 = tpu.memref_slice %arg3[%add3A_6] : memref<16384xi32, #tpu.memory_space<hbm>> -> memref<128xi32, #tpu.memory_space<hbm>>
    %dma_start3A_10 = tpu.memref_slice %arg3[%add3A_6] : memref<16384xi32, #tpu.memory_space<hbm>> -> memref<128xi32, #tpu.memory_space<hbm>>
    tpu.enqueue_dma source(%dma_start3A_10 : memref<128xi32, #tpu.memory_space<hbm>>) target(%arg10 : memref<128xi32, #tpu.memory_space<vmem>>) target_semaphore(%arg25 : memref<!tpu.dma_semaphore, #tpu.memory_space<semaphore_mem>>)
    %dma_wait3A = tpu.memref_slice %arg2[%add3A_6] : memref<16384xi32, #tpu.memory_space<hbm>> -> memref<128xi32, #tpu.memory_space<hbm>>
    %dma_wait3A_11 = tpu.memref_slice %arg2[%add3A_6] : memref<16384xi32, #tpu.memory_space<hbm>> -> memref<128xi32, #tpu.memory_space<hbm>>
    tpu.wait_dma2 semaphore(%arg23 : memref<!tpu.dma_semaphore, #tpu.memory_space<semaphore_mem>>) src(%dma_wait3A_11 : memref<128xi32, #tpu.memory_space<hbm>>) dst(%arg8 : memref<128xi32, #tpu.memory_space<vmem>>)
    %dma_start3A_12 = arith.constant 0 : i32
    %dma_start3A_13 = arith.constant 0 : i32
    %dma_start3A_14 = tpu.memref_slice %arg5[%dma_start3A_12, %dma_start3A_13] : memref<100000x128xf32, #tpu.memory_space<hbm>> -> memref<100000x128xf32, #tpu.memory_space<hbm>>
    tpu.enqueue_indirect_dma source(%dma_start3A_14 : memref<100000x128xf32, #tpu.memory_space<hbm>>) target(%arg14 : memref<128x128xf32, #tpu.memory_space<vmem>>) offsets(%arg8 : memref<128xi32, #tpu.memory_space<vmem>>) semaphore(%arg19 : memref<!tpu.dma_semaphore, #tpu.memory_space<semaphore_mem>>)
    %dma_wait3A_15 = tpu.memref_slice %arg3[%add3A_6] : memref<16384xi32, #tpu.memory_space<hbm>> -> memref<128xi32, #tpu.memory_space<hbm>>
    %dma_wait3A_16 = tpu.memref_slice %arg3[%add3A_6] : memref<16384xi32, #tpu.memory_space<hbm>> -> memref<128xi32, #tpu.memory_space<hbm>>
    tpu.wait_dma2 semaphore(%arg25 : memref<!tpu.dma_semaphore, #tpu.memory_space<semaphore_mem>>) src(%dma_wait3A_16 : memref<128xi32, #tpu.memory_space<hbm>>) dst(%arg10 : memref<128xi32, #tpu.memory_space<vmem>>)
    %dma_start3A_17 = arith.constant 0 : i32
    %dma_start3A_18 = arith.constant 0 : i32
    %dma_start3A_19 = tpu.memref_slice %arg5[%dma_start3A_17, %dma_start3A_18] : memref<100000x128xf32, #tpu.memory_space<hbm>> -> memref<100000x128xf32, #tpu.memory_space<hbm>>
    tpu.enqueue_indirect_dma source(%dma_start3A_19 : memref<100000x128xf32, #tpu.memory_space<hbm>>) target(%arg16 : memref<128x128xf32, #tpu.memory_space<vmem>>) offsets(%arg10 : memref<128xi32, #tpu.memory_space<vmem>>) semaphore(%arg21 : memref<!tpu.dma_semaphore, #tpu.memory_space<semaphore_mem>>)
    %dma_wait3A_20 = tpu.memref_slice %arg4[%mul3A_2] : memref<16384xi32, #tpu.memory_space<hbm>> -> memref<512xi32, #tpu.memory_space<hbm>>
    %dma_wait3A_21 = tpu.memref_slice %arg4[%mul3A_2] : memref<16384xi32, #tpu.memory_space<hbm>> -> memref<512xi32, #tpu.memory_space<hbm>>
    tpu.wait_dma2 semaphore(%arg27 : memref<!tpu.dma_semaphore, #tpu.memory_space<semaphore_mem>>) src(%dma_wait3A_21 : memref<512xi32, #tpu.memory_space<hbm>>) dst(%arg12 : memref<512xi32, #tpu.memory_space<vmem>>)
    tpu.wait_dma2 semaphore(%arg28 : memref<!tpu.dma_semaphore, #tpu.memory_space<semaphore_mem>>) src(%arg6 : memref<16x128xf32, #tpu.memory_space<hbm>>) dst(%arg13 : memref<16x128xf32, #tpu.memory_space<vmem>>)
    %add3A_22 = arith.constant 128 : i32
    %add3A_23 = arith.addi %mul3A_2, %add3A_22 : i32
    %dma_start3A_24 = tpu.memref_slice %arg2[%add3A_23] : memref<16384xi32, #tpu.memory_space<hbm>> -> memref<128xi32, #tpu.memory_space<hbm>>
    %dma_start3A_25 = tpu.memref_slice %arg2[%add3A_23] : memref<16384xi32, #tpu.memory_space<hbm>> -> memref<128xi32, #tpu.memory_space<hbm>>
    tpu.enqueue_dma source(%dma_start3A_25 : memref<128xi32, #tpu.memory_space<hbm>>) target(%arg9 : memref<128xi32, #tpu.memory_space<vmem>>) target_semaphore(%arg24 : memref<!tpu.dma_semaphore, #tpu.memory_space<semaphore_mem>>)
    %dma_start3A_26 = tpu.memref_slice %arg3[%add3A_23] : memref<16384xi32, #tpu.memory_space<hbm>> -> memref<128xi32, #tpu.memory_space<hbm>>
    %dma_start3A_27 = tpu.memref_slice %arg3[%add3A_23] : memref<16384xi32, #tpu.memory_space<hbm>> -> memref<128xi32, #tpu.memory_space<hbm>>
    tpu.enqueue_dma source(%dma_start3A_27 : memref<128xi32, #tpu.memory_space<hbm>>) target(%arg11 : memref<128xi32, #tpu.memory_space<vmem>>) target_semaphore(%arg26 : memref<!tpu.dma_semaphore, #tpu.memory_space<semaphore_mem>>)
    %dma_wait3A_28 = tpu.memref_slice %arg2[%add3A_23] : memref<16384xi32, #tpu.memory_space<hbm>> -> memref<128xi32, #tpu.memory_space<hbm>>
    %dma_wait3A_29 = tpu.memref_slice %arg2[%add3A_23] : memref<16384xi32, #tpu.memory_space<hbm>> -> memref<128xi32, #tpu.memory_space<hbm>>
    tpu.wait_dma2 semaphore(%arg24 : memref<!tpu.dma_semaphore, #tpu.memory_space<semaphore_mem>>) src(%dma_wait3A_29 : memref<128xi32, #tpu.memory_space<hbm>>) dst(%arg9 : memref<128xi32, #tpu.memory_space<vmem>>)
    %dma_start3A_30 = arith.constant 0 : i32
    %dma_start3A_31 = arith.constant 0 : i32
    %dma_start3A_32 = tpu.memref_slice %arg5[%dma_start3A_30, %dma_start3A_31] : memref<100000x128xf32, #tpu.memory_space<hbm>> -> memref<100000x128xf32, #tpu.memory_space<hbm>>
    tpu.enqueue_indirect_dma source(%dma_start3A_32 : memref<100000x128xf32, #tpu.memory_space<hbm>>) target(%arg15 : memref<128x128xf32, #tpu.memory_space<vmem>>) offsets(%arg9 : memref<128xi32, #tpu.memory_space<vmem>>) semaphore(%arg20 : memref<!tpu.dma_semaphore, #tpu.memory_space<semaphore_mem>>)
    %dma_wait3A_33 = tpu.memref_slice %arg3[%add3A_23] : memref<16384xi32, #tpu.memory_space<hbm>> -> memref<128xi32, #tpu.memory_space<hbm>>
    %dma_wait3A_34 = tpu.memref_slice %arg3[%add3A_23] : memref<16384xi32, #tpu.memory_space<hbm>> -> memref<128xi32, #tpu.memory_space<hbm>>
    tpu.wait_dma2 semaphore(%arg26 : memref<!tpu.dma_semaphore, #tpu.memory_space<semaphore_mem>>) src(%dma_wait3A_34 : memref<128xi32, #tpu.memory_space<hbm>>) dst(%arg11 : memref<128xi32, #tpu.memory_space<vmem>>)
    %dma_start3A_35 = arith.constant 0 : i32
    %dma_start3A_36 = arith.constant 0 : i32
    %dma_start3A_37 = tpu.memref_slice %arg5[%dma_start3A_35, %dma_start3A_36] : memref<100000x128xf32, #tpu.memory_space<hbm>> -> memref<100000x128xf32, #tpu.memory_space<hbm>>
    tpu.enqueue_indirect_dma source(%dma_start3A_37 : memref<100000x128xf32, #tpu.memory_space<hbm>>) target(%arg17 : memref<128x128xf32, #tpu.memory_space<vmem>>) offsets(%arg11 : memref<128xi32, #tpu.memory_space<vmem>>) semaphore(%arg22 : memref<!tpu.dma_semaphore, #tpu.memory_space<semaphore_mem>>)
    %dma_wait3A_38 = arith.constant 0 : i32
    %dma_wait3A_39 = arith.constant 0 : i32
    %dma_wait3A_40 = tpu.memref_slice %arg5[%dma_wait3A_38, %dma_wait3A_39] : memref<100000x128xf32, #tpu.memory_space<hbm>> -> memref<100000x128xf32, #tpu.memory_space<hbm>>
    tpu.wait_indirect_dma semaphore(%arg19 : memref<!tpu.dma_semaphore, #tpu.memory_space<semaphore_mem>>) src(%dma_wait3A_40 : memref<100000x128xf32, #tpu.memory_space<hbm>>) dst(%arg14 : memref<128x128xf32, #tpu.memory_space<vmem>>)
    %dma_wait3A_41 = arith.constant 0 : i32
    %dma_wait3A_42 = arith.constant 0 : i32
    %dma_wait3A_43 = tpu.memref_slice %arg5[%dma_wait3A_41, %dma_wait3A_42] : memref<100000x128xf32, #tpu.memory_space<hbm>> -> memref<100000x128xf32, #tpu.memory_space<hbm>>
    tpu.wait_indirect_dma semaphore(%arg21 : memref<!tpu.dma_semaphore, #tpu.memory_space<semaphore_mem>>) src(%dma_wait3A_43 : memref<100000x128xf32, #tpu.memory_space<hbm>>) dst(%arg16 : memref<128x128xf32, #tpu.memory_space<vmem>>)
    %scan3A = arith.constant 0 : i32
    %scan3A_44 = arith.constant 0 : i32
    %scan3A_45 = arith.constant 8 : i32
    %scan3A_46 = arith.addi %scan3A_44, %scan3A_45 : i32
    %scan3A_47 = arith.constant 1 : i32
    %scan3A_48 = scf.for %scan3A_121 = %scan3A_44 to %scan3A_46 step %scan3A_47 iter_args(%scan3A_122 = %scan3A) -> (i32)  : i32 {
      %mul3A_123 = arith.constant 16 : i32
      %mul3A_124 = arith.muli %scan3A_121, %mul3A_123 : i32
      %add3A_125 = arith.constant 0 : i32
      %add3A_126 = arith.addi %add3A_125, %mul3A_124 : i32
      %get3A = arith.index_cast %add3A_126 : i32 to index
      %get3A_127 = tpu.vector_load %arg12[%get3A] {strides = array<i32>} : memref<512xi32, #tpu.memory_space<vmem>>, vector<16xi32>,
      %broadcast_in_dim3A_128 = arith.constant 0.000000e+00 : f32
      %broadcast_in_dim3A_129 = vector.broadcast %broadcast_in_dim3A_128 : f32 to vector<16xf32>
      %scan3A_130 = arith.constant 0 : i32
      %scan3A_131 = arith.constant 16 : i32
      %scan3A_132 = arith.addi %scan3A_130, %scan3A_131 : i32
      %scan3A_133 = arith.constant 2 : i32
      %scan3A_134 = scf.for %scan3A_140 = %scan3A_130 to %scan3A_132 step %scan3A_133 iter_args(%scan3A_141 = %broadcast_in_dim3A_129) -> (vector<16xf32>)  : i32 {
        %add3A_142 = arith.addi %mul3A_124, %scan3A_140 : i32
        %broadcast_in_dim3A_143 = vector.broadcast %scan3A_140 : i32 to vector<16xi32>
        %broadcast_in_dim3A_144 = vector.shape_cast %broadcast_in_dim3A_143 : vector<16xi32> to vector<16x1xi32>
        %gather3A = vector.shape_cast %broadcast_in_dim3A_144 : vector<16x1xi32> to vector<16xi32>
        %gather3A_145 = tpu.dynamic_gather %get3A_127[%gather3A] in [0] : vector<16xi32>, vector<16xi32> -> vector<16xi32>
        %get3A_146 = arith.index_cast %add3A_142 : i32 to index
        %get3A_147 = arith.constant 0 : index
        %get3A_148 = tpu.vector_load %arg14[%get3A_146, %get3A_147] {strides = array<i32>} : memref<128x128xf32, #tpu.memory_space<vmem>>, vector<16xf32>,
        %get3A_149 = arith.index_cast %add3A_142 : i32 to index
        %get3A_150 = arith.constant 0 : index
        %get3A_151 = tpu.vector_load %arg16[%get3A_149, %get3A_150] {strides = array<i32>} : memref<128x128xf32, #tpu.memory_space<vmem>>, vector<16xf32>,
        %mul3A_152 = arith.mulf %get3A_148, %get3A_151 : vector<16xf32>
        %add3A_153 = arith.constant 0 : i32
        %add3A_154 = vector.broadcast %add3A_153 : i32 to vector<16xi32>
        %add3A_155 = arith.addi %iota3A, %add3A_154 : vector<16xi32>
        %gather3A_156 = tpu.vector_load_idx %arg13[%gather3A_145, %add3A_155] : memref<16x128xf32, #tpu.memory_space<vmem>>[vector<16xi32>, vector<16xi32>], vector<16xf32>,
        %mul3A_157 = arith.mulf %mul3A_152, %gather3A_156 : vector<16xf32>
        %get3A_158 = arith.index_cast %add3A_142 : i32 to index
        %get3A_159 = arith.constant 16 : index
        %get3A_160 = tpu.vector_load %arg14[%get3A_158, %get3A_159] {strides = array<i32>} : memref<128x128xf32, #tpu.memory_space<vmem>>, vector<16xf32>,
        %get3A_161 = arith.index_cast %add3A_142 : i32 to index
        %get3A_162 = arith.constant 16 : index
        %get3A_163 = tpu.vector_load %arg16[%get3A_161, %get3A_162] {strides = array<i32>} : memref<128x128xf32, #tpu.memory_space<vmem>>, vector<16xf32>,
        %mul3A_164 = arith.mulf %get3A_160, %get3A_163 : vector<16xf32>
        %add3A_165 = arith.constant 16 : i32
        %add3A_166 = vector.broadcast %add3A_165 : i32 to vector<16xi32>
        %add3A_167 = arith.addi %iota3A, %add3A_166 : vector<16xi32>
        %gather3A_168 = tpu.vector_load_idx %arg13[%gather3A_145, %add3A_167] : memref<16x128xf32, #tpu.memory_space<vmem>>[vector<16xi32>, vector<16xi32>], vector<16xf32>,
        %mul3A_169 = arith.mulf %mul3A_164, %gather3A_168 : vector<16xf32>
        %get3A_170 = arith.index_cast %add3A_142 : i32 to index
        %get3A_171 = arith.constant 32 : index
        %get3A_172 = tpu.vector_load %arg14[%get3A_170, %get3A_171] {strides = array<i32>} : memref<128x128xf32, #tpu.memory_space<vmem>>, vector<16xf32>,
        %get3A_173 = arith.index_cast %add3A_142 : i32 to index
        %get3A_174 = arith.constant 32 : index
        %get3A_175 = tpu.vector_load %arg16[%get3A_173, %get3A_174] {strides = array<i32>} : memref<128x128xf32, #tpu.memory_space<vmem>>, vector<16xf32>,
        %mul3A_176 = arith.mulf %get3A_172, %get3A_175 : vector<16xf32>
        %add3A_177 = arith.constant 32 : i32
        %add3A_178 = vector.broadcast %add3A_177 : i32 to vector<16xi32>
        %add3A_179 = arith.addi %iota3A, %add3A_178 : vector<16xi32>
        %gather3A_180 = tpu.vector_load_idx %arg13[%gather3A_145, %add3A_179] : memref<16x128xf32, #tpu.memory_space<vmem>>[vector<16xi32>, vector<16xi32>], vector<16xf32>,
        %mul3A_181 = arith.mulf %mul3A_176, %gather3A_180 : vector<16xf32>
        %get3A_182 = arith.index_cast %add3A_142 : i32 to index
        %get3A_183 = arith.constant 48 : index
        %get3A_184 = tpu.vector_load %arg14[%get3A_182, %get3A_183] {strides = array<i32>} : memref<128x128xf32, #tpu.memory_space<vmem>>, vector<16xf32>,
        %get3A_185 = arith.index_cast %add3A_142 : i32 to index
        %get3A_186 = arith.constant 48 : index
        %get3A_187 = tpu.vector_load %arg16[%get3A_185, %get3A_186] {strides = array<i32>} : memref<128x128xf32, #tpu.memory_space<vmem>>, vector<16xf32>,
        %mul3A_188 = arith.mulf %get3A_184, %get3A_187 : vector<16xf32>
        %add3A_189 = arith.constant 48 : i32
        %add3A_190 = vector.broadcast %add3A_189 : i32 to vector<16xi32>
        %add3A_191 = arith.addi %iota3A, %add3A_190 : vector<16xi32>
        %gather3A_192 = tpu.vector_load_idx %arg13[%gather3A_145, %add3A_191] : memref<16x128xf32, #tpu.memory_space<vmem>>[vector<16xi32>, vector<16xi32>], vector<16xf32>,
        %mul3A_193 = arith.mulf %mul3A_188, %gather3A_192 : vector<16xf32>
        %get3A_194 = arith.index_cast %add3A_142 : i32 to index
        %get3A_195 = arith.constant 64 : index
        %get3A_196 = tpu.vector_load %arg14[%get3A_194, %get3A_195] {strides = array<i32>} : memref<128x128xf32, #tpu.memory_space<vmem>>, vector<16xf32>,
        %get3A_197 = arith.index_cast %add3A_142 : i32 to index
        %get3A_198 = arith.constant 64 : index
        %get3A_199 = tpu.vector_load %arg16[%get3A_197, %get3A_198] {strides = array<i32>} : memref<128x128xf32, #tpu.memory_space<vmem>>, vector<16xf32>,
        %mul3A_200 = arith.mulf %get3A_196, %get3A_199 : vector<16xf32>
        %add3A_201 = arith.constant 64 : i32
        %add3A_202 = vector.broadcast %add3A_201 : i32 to vector<16xi32>
        %add3A_203 = arith.addi %iota3A, %add3A_202 : vector<16xi32>
        %gather3A_204 = tpu.vector_load_idx %arg13[%gather3A_145, %add3A_203] : memref<16x128xf32, #tpu.memory_space<vmem>>[vector<16xi32>, vector<16xi32>], vector<16xf32>,
        %mul3A_205 = arith.mulf %mul3A_200, %gather3A_204 : vector<16xf32>
        %get3A_206 = arith.index_cast %add3A_142 : i32 to index
        %get3A_207 = arith.constant 80 : index
        %get3A_208 = tpu.vector_load %arg14[%get3A_206, %get3A_207] {strides = array<i32>} : memref<128x128xf32, #tpu.memory_space<vmem>>, vector<16xf32>,
        %get3A_209 = arith.index_cast %add3A_142 : i32 to index
        %get3A_210 = arith.constant 80 : index
        %get3A_211 = tpu.vector_load %arg16[%get3A_209, %get3A_210] {strides = array<i32>} : memref<128x128xf32, #tpu.memory_space<vmem>>, vector<16xf32>,
        %mul3A_212 = arith.mulf %get3A_208, %get3A_211 : vector<16xf32>
        %add3A_213 = arith.constant 80 : i32
        %add3A_214 = vector.broadcast %add3A_213 : i32 to vector<16xi32>
        %add3A_215 = arith.addi %iota3A, %add3A_214 : vector<16xi32>
        %gather3A_216 = tpu.vector_load_idx %arg13[%gather3A_145, %add3A_215] : memref<16x128xf32, #tpu.memory_space<vmem>>[vector<16xi32>, vector<16xi32>], vector<16xf32>,
        %mul3A_217 = arith.mulf %mul3A_212, %gather3A_216 : vector<16xf32>
        %get3A_218 = arith.index_cast %add3A_142 : i32 to index
        %get3A_219 = arith.constant 96 : index
        %get3A_220 = tpu.vector_load %arg14[%get3A_218, %get3A_219] {strides = array<i32>} : memref<128x128xf32, #tpu.memory_space<vmem>>, vector<16xf32>,
        %get3A_221 = arith.index_cast %add3A_142 : i32 to index
        %get3A_222 = arith.constant 96 : index
        %get3A_223 = tpu.vector_load %arg16[%get3A_221, %get3A_222] {strides = array<i32>} : memref<128x128xf32, #tpu.memory_space<vmem>>, vector<16xf32>,
        %mul3A_224 = arith.mulf %get3A_220, %get3A_223 : vector<16xf32>
        %add3A_225 = arith.constant 96 : i32
        %add3A_226 = vector.broadcast %add3A_225 : i32 to vector<16xi32>
        %add3A_227 = arith.addi %iota3A, %add3A_226 : vector<16xi32>
        %gather3A_228 = tpu.vector_load_idx %arg13[%gather3A_145, %add3A_227] : memref<16x128xf32, #tpu.memory_space<vmem>>[vector<16xi32>, vector<16xi32>], vector<16xf32>,
        %mul3A_229 = arith.mulf %mul3A_224, %gather3A_228 : vector<16xf32>
        %get3A_230 = arith.index_cast %add3A_142 : i32 to index
        %get3A_231 = arith.constant 112 : index
        %get3A_232 = tpu.vector_load %arg14[%get3A_230, %get3A_231] {strides = array<i32>} : memref<128x128xf32, #tpu.memory_space<vmem>>, vector<16xf32>,
        %get3A_233 = arith.index_cast %add3A_142 : i32 to index
        %get3A_234 = arith.constant 112 : index
        %get3A_235 = tpu.vector_load %arg16[%get3A_233, %get3A_234] {strides = array<i32>} : memref<128x128xf32, #tpu.memory_space<vmem>>, vector<16xf32>,
        %mul3A_236 = arith.mulf %get3A_232, %get3A_235 : vector<16xf32>
        %add3A_237 = arith.constant 112 : i32
        %add3A_238 = vector.broadcast %add3A_237 : i32 to vector<16xi32>
        %add3A_239 = arith.addi %iota3A, %add3A_238 : vector<16xi32>
        %gather3A_240 = tpu.vector_load_idx %arg13[%gather3A_145, %add3A_239] : memref<16x128xf32, #tpu.memory_space<vmem>>[vector<16xi32>, vector<16xi32>], vector<16xf32>,
        %mul3A_241 = arith.mulf %mul3A_236, %gather3A_240 : vector<16xf32>
        %add3A_242 = arith.addf %mul3A_157, %mul3A_169 : vector<16xf32>
        %add3A_243 = arith.addf %mul3A_181, %mul3A_193 : vector<16xf32>
        %add3A_244 = arith.addf %mul3A_205, %mul3A_217 : vector<16xf32>
        %add3A_245 = arith.addf %mul3A_229, %mul3A_241 : vector<16xf32>
        %add3A_246 = arith.addf %add3A_242, %add3A_243 : vector<16xf32>
        %add3A_247 = arith.addf %add3A_244, %add3A_245 : vector<16xf32>
        %add3A_248 = arith.addf %add3A_246, %add3A_247 : vector<16xf32>
        %cumsum3A = arith.constant true
        %cumsum3A_249 = vector.broadcast %cumsum3A : i1 to vector<16xi1>
        %cumsum3A_250 = tpu.scan <sum>, %add3A_248 masked %cumsum3A_249 : vector<16xf32>, vector<16xi1> -> vector<16xf32>
        %broadcast_in_dim3A_251 = vector.shape_cast %broadcast_in_dim3A_4 : vector<16xi32> to vector<16x1xi32>
        %gather3A_252 = vector.shape_cast %broadcast_in_dim3A_251 : vector<16x1xi32> to vector<16xi32>
        %gather3A_253 = tpu.dynamic_gather %cumsum3A_250[%gather3A_252] in [0] : vector<16xf32>, vector<16xi32> -> vector<16xf32>
        %eq3A = vector.broadcast %scan3A_140 : i32 to vector<16xi32>
        %eq3A_254 = arith.cmpi eq, %iota3A, %eq3A : vector<16xi32>
        %select_n3A = arith.select %eq3A_254, %gather3A_253, %scan3A_141 : vector<16xi1>, vector<16xf32>
        %scan3A_255 = arith.constant 1 : i32
        %scan3A_256 = arith.addi %scan3A_140, %scan3A_255 : i32
        %add3A_257 = arith.addi %mul3A_124, %scan3A_256 : i32
        %broadcast_in_dim3A_258 = vector.broadcast %scan3A_256 : i32 to vector<16xi32>
        %broadcast_in_dim3A_259 = vector.shape_cast %broadcast_in_dim3A_258 : vector<16xi32> to vector<16x1xi32>
        %gather3A_260 = vector.shape_cast %broadcast_in_dim3A_259 : vector<16x1xi32> to vector<16xi32>
        %gather3A_261 = tpu.dynamic_gather %get3A_127[%gather3A_260] in [0] : vector<16xi32>, vector<16xi32> -> vector<16xi32>
        %get3A_262 = arith.index_cast %add3A_257 : i32 to index
        %get3A_263 = arith.constant 0 : index
        %get3A_264 = tpu.vector_load %arg14[%get3A_262, %get3A_263] {strides = array<i32>} : memref<128x128xf32, #tpu.memory_space<vmem>>, vector<16xf32>,
        %get3A_265 = arith.index_cast %add3A_257 : i32 to index
        %get3A_266 = arith.constant 0 : index
        %get3A_267 = tpu.vector_load %arg16[%get3A_265, %get3A_266] {strides = array<i32>} : memref<128x128xf32, #tpu.memory_space<vmem>>, vector<16xf32>,
        %mul3A_268 = arith.mulf %get3A_264, %get3A_267 : vector<16xf32>
        %add3A_269 = arith.constant 0 : i32
        %add3A_270 = vector.broadcast %add3A_269 : i32 to vector<16xi32>
        %add3A_271 = arith.addi %iota3A, %add3A_270 : vector<16xi32>
        %gather3A_272 = tpu.vector_load_idx %arg13[%gather3A_261, %add3A_271] : memref<16x128xf32, #tpu.memory_space<vmem>>[vector<16xi32>, vector<16xi32>], vector<16xf32>,
        %mul3A_273 = arith.mulf %mul3A_268, %gather3A_272 : vector<16xf32>
        %get3A_274 = arith.index_cast %add3A_257 : i32 to index
        %get3A_275 = arith.constant 16 : index
        %get3A_276 = tpu.vector_load %arg14[%get3A_274, %get3A_275] {strides = array<i32>} : memref<128x128xf32, #tpu.memory_space<vmem>>, vector<16xf32>,
        %get3A_277 = arith.index_cast %add3A_257 : i32 to index
        %get3A_278 = arith.constant 16 : index
        %get3A_279 = tpu.vector_load %arg16[%get3A_277, %get3A_278] {strides = array<i32>} : memref<128x128xf32, #tpu.memory_space<vmem>>, vector<16xf32>,
        %mul3A_280 = arith.mulf %get3A_276, %get3A_279 : vector<16xf32>
        %add3A_281 = arith.constant 16 : i32
        %add3A_282 = vector.broadcast %add3A_281 : i32 to vector<16xi32>
        %add3A_283 = arith.addi %iota3A, %add3A_282 : vector<16xi32>
        %gather3A_284 = tpu.vector_load_idx %arg13[%gather3A_261, %add3A_283] : memref<16x128xf32, #tpu.memory_space<vmem>>[vector<16xi32>, vector<16xi32>], vector<16xf32>,
        %mul3A_285 = arith.mulf %mul3A_280, %gather3A_284 : vector<16xf32>
        %get3A_286 = arith.index_cast %add3A_257 : i32 to index
        %get3A_287 = arith.constant 32 : index
        %get3A_288 = tpu.vector_load %arg14[%get3A_286, %get3A_287] {strides = array<i32>} : memref<128x128xf32, #tpu.memory_space<vmem>>, vector<16xf32>,
        %get3A_289 = arith.index_cast %add3A_257 : i32 to index
        %get3A_290 = arith.constant 32 : index
        %get3A_291 = tpu.vector_load %arg16[%get3A_289, %get3A_290] {strides = array<i32>} : memref<128x128xf32, #tpu.memory_space<vmem>>, vector<16xf32>,
        %mul3A_292 = arith.mulf %get3A_288, %get3A_291 : vector<16xf32>
        %add3A_293 = arith.constant 32 : i32
        %add3A_294 = vector.broadcast %add3A_293 : i32 to vector<16xi32>
        %add3A_295 = arith.addi %iota3A, %add3A_294 : vector<16xi32>
        %gather3A_296 = tpu.vector_load_idx %arg13[%gather3A_261, %add3A_295] : memref<16x128xf32, #tpu.memory_space<vmem>>[vector<16xi32>, vector<16xi32>], vector<16xf32>,
        %mul3A_297 = arith.mulf %mul3A_292, %gather3A_296 : vector<16xf32>
        %get3A_298 = arith.index_cast %add3A_257 : i32 to index
        %get3A_299 = arith.constant 48 : index
        %get3A_300 = tpu.vector_load %arg14[%get3A_298, %get3A_299] {strides = array<i32>} : memref<128x128xf32, #tpu.memory_space<vmem>>, vector<16xf32>,
        %get3A_301 = arith.index_cast %add3A_257 : i32 to index
        %get3A_302 = arith.constant 48 : index
        %get3A_303 = tpu.vector_load %arg16[%get3A_301, %get3A_302] {strides = array<i32>} : memref<128x128xf32, #tpu.memory_space<vmem>>, vector<16xf32>,
        %mul3A_304 = arith.mulf %get3A_300, %get3A_303 : vector<16xf32>
        %add3A_305 = arith.constant 48 : i32
        %add3A_306 = vector.broadcast %add3A_305 : i32 to vector<16xi32>
        %add3A_307 = arith.addi %iota3A, %add3A_306 : vector<16xi32>
        %gather3A_308 = tpu.vector_load_idx %arg13[%gather3A_261, %add3A_307] : memref<16x128xf32, #tpu.memory_space<vmem>>[vector<16xi32>, vector<16xi32>], vector<16xf32>,
        %mul3A_309 = arith.mulf %mul3A_304, %gather3A_308 : vector<16xf32>
        %get3A_310 = arith.index_cast %add3A_257 : i32 to index
        %get3A_311 = arith.constant 64 : index
        %get3A_312 = tpu.vector_load %arg14[%get3A_310, %get3A_311] {strides = array<i32>} : memref<128x128xf32, #tpu.memory_space<vmem>>, vector<16xf32>,
        %get3A_313 = arith.index_cast %add3A_257 : i32 to index
        %get3A_314 = arith.constant 64 : index
        %get3A_315 = tpu.vector_load %arg16[%get3A_313, %get3A_314] {strides = array<i32>} : memref<128x128xf32, #tpu.memory_space<vmem>>, vector<16xf32>,
        %mul3A_316 = arith.mulf %get3A_312, %get3A_315 : vector<16xf32>
        %add3A_317 = arith.constant 64 : i32
        %add3A_318 = vector.broadcast %add3A_317 : i32 to vector<16xi32>
        %add3A_319 = arith.addi %iota3A, %add3A_318 : vector<16xi32>
        %gather3A_320 = tpu.vector_load_idx %arg13[%gather3A_261, %add3A_319] : memref<16x128xf32, #tpu.memory_space<vmem>>[vector<16xi32>, vector<16xi32>], vector<16xf32>,
        %mul3A_321 = arith.mulf %mul3A_316, %gather3A_320 : vector<16xf32>
        %get3A_322 = arith.index_cast %add3A_257 : i32 to index
        %get3A_323 = arith.constant 80 : index
        %get3A_324 = tpu.vector_load %arg14[%get3A_322, %get3A_323] {strides = array<i32>} : memref<128x128xf32, #tpu.memory_space<vmem>>, vector<16xf32>,
        %get3A_325 = arith.index_cast %add3A_257 : i32 to index
        %get3A_326 = arith.constant 80 : index
        %get3A_327 = tpu.vector_load %arg16[%get3A_325, %get3A_326] {strides = array<i32>} : memref<128x128xf32, #tpu.memory_space<vmem>>, vector<16xf32>,
        %mul3A_328 = arith.mulf %get3A_324, %get3A_327 : vector<16xf32>
        %add3A_329 = arith.constant 80 : i32
        %add3A_330 = vector.broadcast %add3A_329 : i32 to vector<16xi32>
        %add3A_331 = arith.addi %iota3A, %add3A_330 : vector<16xi32>
        %gather3A_332 = tpu.vector_load_idx %arg13[%gather3A_261, %add3A_331] : memref<16x128xf32, #tpu.memory_space<vmem>>[vector<16xi32>, vector<16xi32>], vector<16xf32>,
        %mul3A_333 = arith.mulf %mul3A_328, %gather3A_332 : vector<16xf32>
        %get3A_334 = arith.index_cast %add3A_257 : i32 to index
        %get3A_335 = arith.constant 96 : index
        %get3A_336 = tpu.vector_load %arg14[%get3A_334, %get3A_335] {strides = array<i32>} : memref<128x128xf32, #tpu.memory_space<vmem>>, vector<16xf32>,
        %get3A_337 = arith.index_cast %add3A_257 : i32 to index
        %get3A_338 = arith.constant 96 : index
        %get3A_339 = tpu.vector_load %arg16[%get3A_337, %get3A_338] {strides = array<i32>} : memref<128x128xf32, #tpu.memory_space<vmem>>, vector<16xf32>,
        %mul3A_340 = arith.mulf %get3A_336, %get3A_339 : vector<16xf32>
        %add3A_341 = arith.constant 96 : i32
        %add3A_342 = vector.broadcast %add3A_341 : i32 to vector<16xi32>
        %add3A_343 = arith.addi %iota3A, %add3A_342 : vector<16xi32>
        %gather3A_344 = tpu.vector_load_idx %arg13[%gather3A_261, %add3A_343] : memref<16x128xf32, #tpu.memory_space<vmem>>[vector<16xi32>, vector<16xi32>], vector<16xf32>,
        %mul3A_345 = arith.mulf %mul3A_340, %gather3A_344 : vector<16xf32>
        %get3A_346 = arith.index_cast %add3A_257 : i32 to index
        %get3A_347 = arith.constant 112 : index
        %get3A_348 = tpu.vector_load %arg14[%get3A_346, %get3A_347] {strides = array<i32>} : memref<128x128xf32, #tpu.memory_space<vmem>>, vector<16xf32>,
        %get3A_349 = arith.index_cast %add3A_257 : i32 to index
        %get3A_350 = arith.constant 112 : index
        %get3A_351 = tpu.vector_load %arg16[%get3A_349, %get3A_350] {strides = array<i32>} : memref<128x128xf32, #tpu.memory_space<vmem>>, vector<16xf32>,
        %mul3A_352 = arith.mulf %get3A_348, %get3A_351 : vector<16xf32>
        %add3A_353 = arith.constant 112 : i32
        %add3A_354 = vector.broadcast %add3A_353 : i32 to vector<16xi32>
        %add3A_355 = arith.addi %iota3A, %add3A_354 : vector<16xi32>
        %gather3A_356 = tpu.vector_load_idx %arg13[%gather3A_261, %add3A_355] : memref<16x128xf32, #tpu.memory_space<vmem>>[vector<16xi32>, vector<16xi32>], vector<16xf32>,
        %mul3A_357 = arith.mulf %mul3A_352, %gather3A_356 : vector<16xf32>
        %add3A_358 = arith.addf %mul3A_273, %mul3A_285 : vector<16xf32>
        %add3A_359 = arith.addf %mul3A_297, %mul3A_309 : vector<16xf32>
        %add3A_360 = arith.addf %mul3A_321, %mul3A_333 : vector<16xf32>
        %add3A_361 = arith.addf %mul3A_345, %mul3A_357 : vector<16xf32>
        %add3A_362 = arith.addf %add3A_358, %add3A_359 : vector<16xf32>
        %add3A_363 = arith.addf %add3A_360, %add3A_361 : vector<16xf32>
        %add3A_364 = arith.addf %add3A_362, %add3A_363 : vector<16xf32>
        %cumsum3A_365 = arith.constant true
        %cumsum3A_366 = vector.broadcast %cumsum3A_365 : i1 to vector<16xi1>
        %cumsum3A_367 = tpu.scan <sum>, %add3A_364 masked %cumsum3A_366 : vector<16xf32>, vector<16xi1> -> vector<16xf32>
        %broadcast_in_dim3A_368 = vector.shape_cast %broadcast_in_dim3A_4 : vector<16xi32> to vector<16x1xi32>
        %gather3A_369 = vector.shape_cast %broadcast_in_dim3A_368 : vector<16x1xi32> to vector<16xi32>
        %gather3A_370 = tpu.dynamic_gather %cumsum3A_367[%gather3A_369] in [0] : vector<16xf32>, vector<16xi32> -> vector<16xf32>
        %eq3A_371 = vector.broadcast %scan3A_256 : i32 to vector<16xi32>
        %eq3A_372 = arith.cmpi eq, %iota3A, %eq3A_371 : vector<16xi32>
        %select_n3A_373 = arith.select %eq3A_372, %gather3A_370, %select_n3A : vector<16xi1>, vector<16xf32>
        scf.yield %select_n3A_373 : vector<16xf32>
      }
      %scan3A_135 = arith.constant 16 : i32
      %add3A_136 = arith.constant 0 : i32
      %add3A_137 = arith.addi %add3A_136, %mul3A_124 : i32
      %swap3A = arith.index_cast %add3A_137 : i32 to index
      %swap3A_138 = tpu.vector_load %arg18[%swap3A] {strides = array<i32>} : memref<512xf32, #tpu.memory_space<vmem>>, vector<16xf32>,
      tpu.vector_store %arg18[%swap3A], %scan3A_134 {strides = array<i32>} : memref<512xf32, #tpu.memory_space<vmem>>, vector<16xf32>,
      %scan3A_139 = arith.constant 0 : i32
      scf.yield %scan3A_139 : i32
    }
    %scan3A_49 = arith.constant 8 : i32
    %add3A_50 = arith.constant 256 : i32
    %add3A_51 = arith.addi %mul3A_2, %add3A_50 : i32
    %dma_start3A_52 = tpu.memref_slice %arg2[%add3A_51] : memref<16384xi32, #tpu.memory_space<hbm>> -> memref<128xi32, #tpu.memory_space<hbm>>
    %dma_start3A_53 = tpu.memref_slice %arg2[%add3A_51] : memref<16384xi32, #tpu.memory_space<hbm>> -> memref<128xi32, #tpu.memory_space<hbm>>
    tpu.enqueue_dma source(%dma_start3A_53 : memref<128xi32, #tpu.memory_space<hbm>>) target(%arg8 : memref<128xi32, #tpu.memory_space<vmem>>) target_semaphore(%arg23 : memref<!tpu.dma_semaphore, #tpu.memory_space<semaphore_mem>>)
    %dma_start3A_54 = tpu.memref_slice %arg3[%add3A_51] : memref<16384xi32, #tpu.memory_space<hbm>> -> memref<128xi32, #tpu.memory_space<hbm>>
    %dma_start3A_55 = tpu.memref_slice %arg3[%add3A_51] : memref<16384xi32, #tpu.memory_space<hbm>> -> memref<128xi32, #tpu.memory_space<hbm>>
    tpu.enqueue_dma source(%dma_start3A_55 : memref<128xi32, #tpu.memory_space<hbm>>) target(%arg10 : memref<128xi32, #tpu.memory_space<vmem>>) target_semaphore(%arg25 : memref<!tpu.dma_semaphore, #tpu.memory_space<semaphore_mem>>)
    %dma_wait3A_56 = tpu.memref_slice %arg2[%add3A_51] : memref<16384xi32, #tpu.memory_space<hbm>> -> memref<128xi32, #tpu.memory_space<hbm>>
    %dma_wait3A_57 = tpu.memref_slice %arg2[%add3A_51] : memref<16384xi32, #tpu.memory_space<hbm>> -> memref<128xi32, #tpu.memory_space<hbm>>
    tpu.wait_dma2 semaphore(%arg23 : memref<!tpu.dma_semaphore, #tpu.memory_space<semaphore_mem>>) src(%dma_wait3A_57 : memref<128xi32, #tpu.memory_space<hbm>>) dst(%arg8 : memref<128xi32, #tpu.memory_space<vmem>>)
    %dma_start3A_58 = arith.constant 0 : i32
    %dma_start3A_59 = arith.constant 0 : i32
    %dma_start3A_60 = tpu.memref_slice %arg5[%dma_start3A_58, %dma_start3A_59] : memref<100000x128xf32, #tpu.memory_space<hbm>> -> memref<100000x128xf32, #tpu.memory_space<hbm>>
    tpu.enqueue_indirect_dma source(%dma_start3A_60 : memref<100000x128xf32, #tpu.memory_space<hbm>>) target(%arg14 : memref<128x128xf32, #tpu.memory_space<vmem>>) offsets(%arg8 : memref<128xi32, #tpu.memory_space<vmem>>) semaphore(%arg19 : memref<!tpu.dma_semaphore, #tpu.memory_space<semaphore_mem>>)
    %dma_wait3A_61 = tpu.memref_slice %arg3[%add3A_51] : memref<16384xi32, #tpu.memory_space<hbm>> -> memref<128xi32, #tpu.memory_space<hbm>>
    %dma_wait3A_62 = tpu.memref_slice %arg3[%add3A_51] : memref<16384xi32, #tpu.memory_space<hbm>> -> memref<128xi32, #tpu.memory_space<hbm>>
    tpu.wait_dma2 semaphore(%arg25 : memref<!tpu.dma_semaphore, #tpu.memory_space<semaphore_mem>>) src(%dma_wait3A_62 : memref<128xi32, #tpu.memory_space<hbm>>) dst(%arg10 : memref<128xi32, #tpu.memory_space<vmem>>)
    %dma_start3A_63 = arith.constant 0 : i32
    %dma_start3A_64 = arith.constant 0 : i32
    %dma_start3A_65 = tpu.memref_slice %arg5[%dma_start3A_63, %dma_start3A_64] : memref<100000x128xf32, #tpu.memory_space<hbm>> -> memref<100000x128xf32, #tpu.memory_space<hbm>>
    tpu.enqueue_indirect_dma source(%dma_start3A_65 : memref<100000x128xf32, #tpu.memory_space<hbm>>) target(%arg16 : memref<128x128xf32, #tpu.memory_space<vmem>>) offsets(%arg10 : memref<128xi32, #tpu.memory_space<vmem>>) semaphore(%arg21 : memref<!tpu.dma_semaphore, #tpu.memory_space<semaphore_mem>>)
    %dma_wait3A_66 = arith.constant 0 : i32
    %dma_wait3A_67 = arith.constant 0 : i32
    %dma_wait3A_68 = tpu.memref_slice %arg5[%dma_wait3A_66, %dma_wait3A_67] : memref<100000x128xf32, #tpu.memory_space<hbm>> -> memref<100000x128xf32, #tpu.memory_space<hbm>>
    tpu.wait_indirect_dma semaphore(%arg20 : memref<!tpu.dma_semaphore, #tpu.memory_space<semaphore_mem>>) src(%dma_wait3A_68 : memref<100000x128xf32, #tpu.memory_space<hbm>>) dst(%arg15 : memref<128x128xf32, #tpu.memory_space<vmem>>)
    %dma_wait3A_69 = arith.constant 0 : i32
    %dma_wait3A_70 = arith.constant 0 : i32
    %dma_wait3A_71 = tpu.memref_slice %arg5[%dma_wait3A_69, %dma_wait3A_70] : memref<100000x128xf32, #tpu.memory_space<hbm>> -> memref<100000x128xf32, #tpu.memory_space<hbm>>
    tpu.wait_indirect_dma semaphore(%arg22 : memref<!tpu.dma_semaphore, #tpu.memory_space<semaphore_mem>>) src(%dma_wait3A_71 : memref<100000x128xf32, #tpu.memory_space<hbm>>) dst(%arg17 : memref<128x128xf32, #tpu.memory_space<vmem>>)
    %scan3A_72 = arith.constant 0 : i32
    %scan3A_73 = arith.constant 0 : i32
    %scan3A_74 = arith.constant 8 : i32
    %scan3A_75 = arith.addi %scan3A_73, %scan3A_74 : i32
    %scan3A_76 = arith.constant 1 : i32
    %scan3A_77 = scf.for %scan3A_121 = %scan3A_73 to %scan3A_75 step %scan3A_76 iter_args(%scan3A_122 = %scan3A_72) -> (i32)  : i32 {
      %mul3A_123 = arith.constant 16 : i32
      %mul3A_124 = arith.muli %scan3A_121, %mul3A_123 : i32
      %add3A_125 = arith.constant 128 : i32
      %add3A_126 = arith.addi %add3A_125, %mul3A_124 : i32
      %get3A = arith.index_cast %add3A_126 : i32 to index
      %get3A_127 = tpu.vector_load %arg12[%get3A] {strides = array<i32>} : memref<512xi32, #tpu.memory_space<vmem>>, vector<16xi32>,
      %broadcast_in_dim3A_128 = arith.constant 0.000000e+00 : f32
      %broadcast_in_dim3A_129 = vector.broadcast %broadcast_in_dim3A_128 : f32 to vector<16xf32>
      %scan3A_130 = arith.constant 0 : i32
      %scan3A_131 = arith.constant 16 : i32
      %scan3A_132 = arith.addi %scan3A_130, %scan3A_131 : i32
      %scan3A_133 = arith.constant 2 : i32
      %scan3A_134 = scf.for %scan3A_140 = %scan3A_130 to %scan3A_132 step %scan3A_133 iter_args(%scan3A_141 = %broadcast_in_dim3A_129) -> (vector<16xf32>)  : i32 {
        %add3A_142 = arith.addi %mul3A_124, %scan3A_140 : i32
        %broadcast_in_dim3A_143 = vector.broadcast %scan3A_140 : i32 to vector<16xi32>
        %broadcast_in_dim3A_144 = vector.shape_cast %broadcast_in_dim3A_143 : vector<16xi32> to vector<16x1xi32>
        %gather3A = vector.shape_cast %broadcast_in_dim3A_144 : vector<16x1xi32> to vector<16xi32>
        %gather3A_145 = tpu.dynamic_gather %get3A_127[%gather3A] in [0] : vector<16xi32>, vector<16xi32> -> vector<16xi32>
        %get3A_146 = arith.index_cast %add3A_142 : i32 to index
        %get3A_147 = arith.constant 0 : index
        %get3A_148 = tpu.vector_load %arg15[%get3A_146, %get3A_147] {strides = array<i32>} : memref<128x128xf32, #tpu.memory_space<vmem>>, vector<16xf32>,
        %get3A_149 = arith.index_cast %add3A_142 : i32 to index
        %get3A_150 = arith.constant 0 : index
        %get3A_151 = tpu.vector_load %arg17[%get3A_149, %get3A_150] {strides = array<i32>} : memref<128x128xf32, #tpu.memory_space<vmem>>, vector<16xf32>,
        %mul3A_152 = arith.mulf %get3A_148, %get3A_151 : vector<16xf32>
        %add3A_153 = arith.constant 0 : i32
        %add3A_154 = vector.broadcast %add3A_153 : i32 to vector<16xi32>
        %add3A_155 = arith.addi %iota3A, %add3A_154 : vector<16xi32>
        %gather3A_156 = tpu.vector_load_idx %arg13[%gather3A_145, %add3A_155] : memref<16x128xf32, #tpu.memory_space<vmem>>[vector<16xi32>, vector<16xi32>], vector<16xf32>,
        %mul3A_157 = arith.mulf %mul3A_152, %gather3A_156 : vector<16xf32>
        %get3A_158 = arith.index_cast %add3A_142 : i32 to index
        %get3A_159 = arith.constant 16 : index
        %get3A_160 = tpu.vector_load %arg15[%get3A_158, %get3A_159] {strides = array<i32>} : memref<128x128xf32, #tpu.memory_space<vmem>>, vector<16xf32>,
        %get3A_161 = arith.index_cast %add3A_142 : i32 to index
        %get3A_162 = arith.constant 16 : index
        %get3A_163 = tpu.vector_load %arg17[%get3A_161, %get3A_162] {strides = array<i32>} : memref<128x128xf32, #tpu.memory_space<vmem>>, vector<16xf32>,
        %mul3A_164 = arith.mulf %get3A_160, %get3A_163 : vector<16xf32>
        %add3A_165 = arith.constant 16 : i32
        %add3A_166 = vector.broadcast %add3A_165 : i32 to vector<16xi32>
        %add3A_167 = arith.addi %iota3A, %add3A_166 : vector<16xi32>
        %gather3A_168 = tpu.vector_load_idx %arg13[%gather3A_145, %add3A_167] : memref<16x128xf32, #tpu.memory_space<vmem>>[vector<16xi32>, vector<16xi32>], vector<16xf32>,
        %mul3A_169 = arith.mulf %mul3A_164, %gather3A_168 : vector<16xf32>
        %get3A_170 = arith.index_cast %add3A_142 : i32 to index
        %get3A_171 = arith.constant 32 : index
        %get3A_172 = tpu.vector_load %arg15[%get3A_170, %get3A_171] {strides = array<i32>} : memref<128x128xf32, #tpu.memory_space<vmem>>, vector<16xf32>,
        %get3A_173 = arith.index_cast %add3A_142 : i32 to index
        %get3A_174 = arith.constant 32 : index
        %get3A_175 = tpu.vector_load %arg17[%get3A_173, %get3A_174] {strides = array<i32>} : memref<128x128xf32, #tpu.memory_space<vmem>>, vector<16xf32>,
        %mul3A_176 = arith.mulf %get3A_172, %get3A_175 : vector<16xf32>
        %add3A_177 = arith.constant 32 : i32
        %add3A_178 = vector.broadcast %add3A_177 : i32 to vector<16xi32>
        %add3A_179 = arith.addi %iota3A, %add3A_178 : vector<16xi32>
        %gather3A_180 = tpu.vector_load_idx %arg13[%gather3A_145, %add3A_179] : memref<16x128xf32, #tpu.memory_space<vmem>>[vector<16xi32>, vector<16xi32>], vector<16xf32>,
        %mul3A_181 = arith.mulf %mul3A_176, %gather3A_180 : vector<16xf32>
        %get3A_182 = arith.index_cast %add3A_142 : i32 to index
        %get3A_183 = arith.constant 48 : index
        %get3A_184 = tpu.vector_load %arg15[%get3A_182, %get3A_183] {strides = array<i32>} : memref<128x128xf32, #tpu.memory_space<vmem>>, vector<16xf32>,
        %get3A_185 = arith.index_cast %add3A_142 : i32 to index
        %get3A_186 = arith.constant 48 : index
        %get3A_187 = tpu.vector_load %arg17[%get3A_185, %get3A_186] {strides = array<i32>} : memref<128x128xf32, #tpu.memory_space<vmem>>, vector<16xf32>,
        %mul3A_188 = arith.mulf %get3A_184, %get3A_187 : vector<16xf32>
        %add3A_189 = arith.constant 48 : i32
        %add3A_190 = vector.broadcast %add3A_189 : i32 to vector<16xi32>
        %add3A_191 = arith.addi %iota3A, %add3A_190 : vector<16xi32>
        %gather3A_192 = tpu.vector_load_idx %arg13[%gather3A_145, %add3A_191] : memref<16x128xf32, #tpu.memory_space<vmem>>[vector<16xi32>, vector<16xi32>], vector<16xf32>,
        %mul3A_193 = arith.mulf %mul3A_188, %gather3A_192 : vector<16xf32>
        %get3A_194 = arith.index_cast %add3A_142 : i32 to index
        %get3A_195 = arith.constant 64 : index
        %get3A_196 = tpu.vector_load %arg15[%get3A_194, %get3A_195] {strides = array<i32>} : memref<128x128xf32, #tpu.memory_space<vmem>>, vector<16xf32>,
        %get3A_197 = arith.index_cast %add3A_142 : i32 to index
        %get3A_198 = arith.constant 64 : index
        %get3A_199 = tpu.vector_load %arg17[%get3A_197, %get3A_198] {strides = array<i32>} : memref<128x128xf32, #tpu.memory_space<vmem>>, vector<16xf32>,
        %mul3A_200 = arith.mulf %get3A_196, %get3A_199 : vector<16xf32>
        %add3A_201 = arith.constant 64 : i32
        %add3A_202 = vector.broadcast %add3A_201 : i32 to vector<16xi32>
        %add3A_203 = arith.addi %iota3A, %add3A_202 : vector<16xi32>
        %gather3A_204 = tpu.vector_load_idx %arg13[%gather3A_145, %add3A_203] : memref<16x128xf32, #tpu.memory_space<vmem>>[vector<16xi32>, vector<16xi32>], vector<16xf32>,
        %mul3A_205 = arith.mulf %mul3A_200, %gather3A_204 : vector<16xf32>
        %get3A_206 = arith.index_cast %add3A_142 : i32 to index
        %get3A_207 = arith.constant 80 : index
        %get3A_208 = tpu.vector_load %arg15[%get3A_206, %get3A_207] {strides = array<i32>} : memref<128x128xf32, #tpu.memory_space<vmem>>, vector<16xf32>,
        %get3A_209 = arith.index_cast %add3A_142 : i32 to index
        %get3A_210 = arith.constant 80 : index
        %get3A_211 = tpu.vector_load %arg17[%get3A_209, %get3A_210] {strides = array<i32>} : memref<128x128xf32, #tpu.memory_space<vmem>>, vector<16xf32>,
        %mul3A_212 = arith.mulf %get3A_208, %get3A_211 : vector<16xf32>
        %add3A_213 = arith.constant 80 : i32
        %add3A_214 = vector.broadcast %add3A_213 : i32 to vector<16xi32>
        %add3A_215 = arith.addi %iota3A, %add3A_214 : vector<16xi32>
        %gather3A_216 = tpu.vector_load_idx %arg13[%gather3A_145, %add3A_215] : memref<16x128xf32, #tpu.memory_space<vmem>>[vector<16xi32>, vector<16xi32>], vector<16xf32>,
        %mul3A_217 = arith.mulf %mul3A_212, %gather3A_216 : vector<16xf32>
        %get3A_218 = arith.index_cast %add3A_142 : i32 to index
        %get3A_219 = arith.constant 96 : index
        %get3A_220 = tpu.vector_load %arg15[%get3A_218, %get3A_219] {strides = array<i32>} : memref<128x128xf32, #tpu.memory_space<vmem>>, vector<16xf32>,
        %get3A_221 = arith.index_cast %add3A_142 : i32 to index
        %get3A_222 = arith.constant 96 : index
        %get3A_223 = tpu.vector_load %arg17[%get3A_221, %get3A_222] {strides = array<i32>} : memref<128x128xf32, #tpu.memory_space<vmem>>, vector<16xf32>,
        %mul3A_224 = arith.mulf %get3A_220, %get3A_223 : vector<16xf32>
        %add3A_225 = arith.constant 96 : i32
        %add3A_226 = vector.broadcast %add3A_225 : i32 to vector<16xi32>
        %add3A_227 = arith.addi %iota3A, %add3A_226 : vector<16xi32>
        %gather3A_228 = tpu.vector_load_idx %arg13[%gather3A_145, %add3A_227] : memref<16x128xf32, #tpu.memory_space<vmem>>[vector<16xi32>, vector<16xi32>], vector<16xf32>,
        %mul3A_229 = arith.mulf %mul3A_224, %gather3A_228 : vector<16xf32>
        %get3A_230 = arith.index_cast %add3A_142 : i32 to index
        %get3A_231 = arith.constant 112 : index
        %get3A_232 = tpu.vector_load %arg15[%get3A_230, %get3A_231] {strides = array<i32>} : memref<128x128xf32, #tpu.memory_space<vmem>>, vector<16xf32>,
        %get3A_233 = arith.index_cast %add3A_142 : i32 to index
        %get3A_234 = arith.constant 112 : index
        %get3A_235 = tpu.vector_load %arg17[%get3A_233, %get3A_234] {strides = array<i32>} : memref<128x128xf32, #tpu.memory_space<vmem>>, vector<16xf32>,
        %mul3A_236 = arith.mulf %get3A_232, %get3A_235 : vector<16xf32>
        %add3A_237 = arith.constant 112 : i32
        %add3A_238 = vector.broadcast %add3A_237 : i32 to vector<16xi32>
        %add3A_239 = arith.addi %iota3A, %add3A_238 : vector<16xi32>
        %gather3A_240 = tpu.vector_load_idx %arg13[%gather3A_145, %add3A_239] : memref<16x128xf32, #tpu.memory_space<vmem>>[vector<16xi32>, vector<16xi32>], vector<16xf32>,
        %mul3A_241 = arith.mulf %mul3A_236, %gather3A_240 : vector<16xf32>
        %add3A_242 = arith.addf %mul3A_157, %mul3A_169 : vector<16xf32>
        %add3A_243 = arith.addf %mul3A_181, %mul3A_193 : vector<16xf32>
        %add3A_244 = arith.addf %mul3A_205, %mul3A_217 : vector<16xf32>
        %add3A_245 = arith.addf %mul3A_229, %mul3A_241 : vector<16xf32>
        %add3A_246 = arith.addf %add3A_242, %add3A_243 : vector<16xf32>
        %add3A_247 = arith.addf %add3A_244, %add3A_245 : vector<16xf32>
        %add3A_248 = arith.addf %add3A_246, %add3A_247 : vector<16xf32>
        %cumsum3A = arith.constant true
        %cumsum3A_249 = vector.broadcast %cumsum3A : i1 to vector<16xi1>
        %cumsum3A_250 = tpu.scan <sum>, %add3A_248 masked %cumsum3A_249 : vector<16xf32>, vector<16xi1> -> vector<16xf32>
        %broadcast_in_dim3A_251 = vector.shape_cast %broadcast_in_dim3A_4 : vector<16xi32> to vector<16x1xi32>
        %gather3A_252 = vector.shape_cast %broadcast_in_dim3A_251 : vector<16x1xi32> to vector<16xi32>
        %gather3A_253 = tpu.dynamic_gather %cumsum3A_250[%gather3A_252] in [0] : vector<16xf32>, vector<16xi32> -> vector<16xf32>
        %eq3A = vector.broadcast %scan3A_140 : i32 to vector<16xi32>
        %eq3A_254 = arith.cmpi eq, %iota3A, %eq3A : vector<16xi32>
        %select_n3A = arith.select %eq3A_254, %gather3A_253, %scan3A_141 : vector<16xi1>, vector<16xf32>
        %scan3A_255 = arith.constant 1 : i32
        %scan3A_256 = arith.addi %scan3A_140, %scan3A_255 : i32
        %add3A_257 = arith.addi %mul3A_124, %scan3A_256 : i32
        %broadcast_in_dim3A_258 = vector.broadcast %scan3A_256 : i32 to vector<16xi32>
        %broadcast_in_dim3A_259 = vector.shape_cast %broadcast_in_dim3A_258 : vector<16xi32> to vector<16x1xi32>
        %gather3A_260 = vector.shape_cast %broadcast_in_dim3A_259 : vector<16x1xi32> to vector<16xi32>
        %gather3A_261 = tpu.dynamic_gather %get3A_127[%gather3A_260] in [0] : vector<16xi32>, vector<16xi32> -> vector<16xi32>
        %get3A_262 = arith.index_cast %add3A_257 : i32 to index
        %get3A_263 = arith.constant 0 : index
        %get3A_264 = tpu.vector_load %arg15[%get3A_262, %get3A_263] {strides = array<i32>} : memref<128x128xf32, #tpu.memory_space<vmem>>, vector<16xf32>,
        %get3A_265 = arith.index_cast %add3A_257 : i32 to index
        %get3A_266 = arith.constant 0 : index
        %get3A_267 = tpu.vector_load %arg17[%get3A_265, %get3A_266] {strides = array<i32>} : memref<128x128xf32, #tpu.memory_space<vmem>>, vector<16xf32>,
        %mul3A_268 = arith.mulf %get3A_264, %get3A_267 : vector<16xf32>
        %add3A_269 = arith.constant 0 : i32
        %add3A_270 = vector.broadcast %add3A_269 : i32 to vector<16xi32>
        %add3A_271 = arith.addi %iota3A, %add3A_270 : vector<16xi32>
        %gather3A_272 = tpu.vector_load_idx %arg13[%gather3A_261, %add3A_271] : memref<16x128xf32, #tpu.memory_space<vmem>>[vector<16xi32>, vector<16xi32>], vector<16xf32>,
        %mul3A_273 = arith.mulf %mul3A_268, %gather3A_272 : vector<16xf32>
        %get3A_274 = arith.index_cast %add3A_257 : i32 to index
        %get3A_275 = arith.constant 16 : index
        %get3A_276 = tpu.vector_load %arg15[%get3A_274, %get3A_275] {strides = array<i32>} : memref<128x128xf32, #tpu.memory_space<vmem>>, vector<16xf32>,
        %get3A_277 = arith.index_cast %add3A_257 : i32 to index
        %get3A_278 = arith.constant 16 : index
        %get3A_279 = tpu.vector_load %arg17[%get3A_277, %get3A_278] {strides = array<i32>} : memref<128x128xf32, #tpu.memory_space<vmem>>, vector<16xf32>,
        %mul3A_280 = arith.mulf %get3A_276, %get3A_279 : vector<16xf32>
        %add3A_281 = arith.constant 16 : i32
        %add3A_282 = vector.broadcast %add3A_281 : i32 to vector<16xi32>
        %add3A_283 = arith.addi %iota3A, %add3A_282 : vector<16xi32>
        %gather3A_284 = tpu.vector_load_idx %arg13[%gather3A_261, %add3A_283] : memref<16x128xf32, #tpu.memory_space<vmem>>[vector<16xi32>, vector<16xi32>], vector<16xf32>,
        %mul3A_285 = arith.mulf %mul3A_280, %gather3A_284 : vector<16xf32>
        %get3A_286 = arith.index_cast %add3A_257 : i32 to index
        %get3A_287 = arith.constant 32 : index
        %get3A_288 = tpu.vector_load %arg15[%get3A_286, %get3A_287] {strides = array<i32>} : memref<128x128xf32, #tpu.memory_space<vmem>>, vector<16xf32>,
        %get3A_289 = arith.index_cast %add3A_257 : i32 to index
        %get3A_290 = arith.constant 32 : index
        %get3A_291 = tpu.vector_load %arg17[%get3A_289, %get3A_290] {strides = array<i32>} : memref<128x128xf32, #tpu.memory_space<vmem>>, vector<16xf32>,
        %mul3A_292 = arith.mulf %get3A_288, %get3A_291 : vector<16xf32>
        %add3A_293 = arith.constant 32 : i32
        %add3A_294 = vector.broadcast %add3A_293 : i32 to vector<16xi32>
        %add3A_295 = arith.addi %iota3A, %add3A_294 : vector<16xi32>
        %gather3A_296 = tpu.vector_load_idx %arg13[%gather3A_261, %add3A_295] : memref<16x128xf32, #tpu.memory_space<vmem>>[vector<16xi32>, vector<16xi32>], vector<16xf32>,
        %mul3A_297 = arith.mulf %mul3A_292, %gather3A_296 : vector<16xf32>
        %get3A_298 = arith.index_cast %add3A_257 : i32 to index
        %get3A_299 = arith.constant 48 : index
        %get3A_300 = tpu.vector_load %arg15[%get3A_298, %get3A_299] {strides = array<i32>} : memref<128x128xf32, #tpu.memory_space<vmem>>, vector<16xf32>,
        %get3A_301 = arith.index_cast %add3A_257 : i32 to index
        %get3A_302 = arith.constant 48 : index
        %get3A_303 = tpu.vector_load %arg17[%get3A_301, %get3A_302] {strides = array<i32>} : memref<128x128xf32, #tpu.memory_space<vmem>>, vector<16xf32>,
        %mul3A_304 = arith.mulf %get3A_300, %get3A_303 : vector<16xf32>
        %add3A_305 = arith.constant 48 : i32
        %add3A_306 = vector.broadcast %add3A_305 : i32 to vector<16xi32>
        %add3A_307 = arith.addi %iota3A, %add3A_306 : vector<16xi32>
        %gather3A_308 = tpu.vector_load_idx %arg13[%gather3A_261, %add3A_307] : memref<16x128xf32, #tpu.memory_space<vmem>>[vector<16xi32>, vector<16xi32>], vector<16xf32>,
        %mul3A_309 = arith.mulf %mul3A_304, %gather3A_308 : vector<16xf32>
        %get3A_310 = arith.index_cast %add3A_257 : i32 to index
        %get3A_311 = arith.constant 64 : index
        %get3A_312 = tpu.vector_load %arg15[%get3A_310, %get3A_311] {strides = array<i32>} : memref<128x128xf32, #tpu.memory_space<vmem>>, vector<16xf32>,
        %get3A_313 = arith.index_cast %add3A_257 : i32 to index
        %get3A_314 = arith.constant 64 : index
        %get3A_315 = tpu.vector_load %arg17[%get3A_313, %get3A_314] {strides = array<i32>} : memref<128x128xf32, #tpu.memory_space<vmem>>, vector<16xf32>,
        %mul3A_316 = arith.mulf %get3A_312, %get3A_315 : vector<16xf32>
        %add3A_317 = arith.constant 64 : i32
        %add3A_318 = vector.broadcast %add3A_317 : i32 to vector<16xi32>
        %add3A_319 = arith.addi %iota3A, %add3A_318 : vector<16xi32>
        %gather3A_320 = tpu.vector_load_idx %arg13[%gather3A_261, %add3A_319] : memref<16x128xf32, #tpu.memory_space<vmem>>[vector<16xi32>, vector<16xi32>], vector<16xf32>,
        %mul3A_321 = arith.mulf %mul3A_316, %gather3A_320 : vector<16xf32>
        %get3A_322 = arith.index_cast %add3A_257 : i32 to index
        %get3A_323 = arith.constant 80 : index
        %get3A_324 = tpu.vector_load %arg15[%get3A_322, %get3A_323] {strides = array<i32>} : memref<128x128xf32, #tpu.memory_space<vmem>>, vector<16xf32>,
        %get3A_325 = arith.index_cast %add3A_257 : i32 to index
        %get3A_326 = arith.constant 80 : index
        %get3A_327 = tpu.vector_load %arg17[%get3A_325, %get3A_326] {strides = array<i32>} : memref<128x128xf32, #tpu.memory_space<vmem>>, vector<16xf32>,
        %mul3A_328 = arith.mulf %get3A_324, %get3A_327 : vector<16xf32>
        %add3A_329 = arith.constant 80 : i32
        %add3A_330 = vector.broadcast %add3A_329 : i32 to vector<16xi32>
        %add3A_331 = arith.addi %iota3A, %add3A_330 : vector<16xi32>
        %gather3A_332 = tpu.vector_load_idx %arg13[%gather3A_261, %add3A_331] : memref<16x128xf32, #tpu.memory_space<vmem>>[vector<16xi32>, vector<16xi32>], vector<16xf32>,
        %mul3A_333 = arith.mulf %mul3A_328, %gather3A_332 : vector<16xf32>
        %get3A_334 = arith.index_cast %add3A_257 : i32 to index
        %get3A_335 = arith.constant 96 : index
        %get3A_336 = tpu.vector_load %arg15[%get3A_334, %get3A_335] {strides = array<i32>} : memref<128x128xf32, #tpu.memory_space<vmem>>, vector<16xf32>,
        %get3A_337 = arith.index_cast %add3A_257 : i32 to index
        %get3A_338 = arith.constant 96 : index
        %get3A_339 = tpu.vector_load %arg17[%get3A_337, %get3A_338] {strides = array<i32>} : memref<128x128xf32, #tpu.memory_space<vmem>>, vector<16xf32>,
        %mul3A_340 = arith.mulf %get3A_336, %get3A_339 : vector<16xf32>
        %add3A_341 = arith.constant 96 : i32
        %add3A_342 = vector.broadcast %add3A_341 : i32 to vector<16xi32>
        %add3A_343 = arith.addi %iota3A, %add3A_342 : vector<16xi32>
        %gather3A_344 = tpu.vector_load_idx %arg13[%gather3A_261, %add3A_343] : memref<16x128xf32, #tpu.memory_space<vmem>>[vector<16xi32>, vector<16xi32>], vector<16xf32>,
        %mul3A_345 = arith.mulf %mul3A_340, %gather3A_344 : vector<16xf32>
        %get3A_346 = arith.index_cast %add3A_257 : i32 to index
        %get3A_347 = arith.constant 112 : index
        %get3A_348 = tpu.vector_load %arg15[%get3A_346, %get3A_347] {strides = array<i32>} : memref<128x128xf32, #tpu.memory_space<vmem>>, vector<16xf32>,
        %get3A_349 = arith.index_cast %add3A_257 : i32 to index
        %get3A_350 = arith.constant 112 : index
        %get3A_351 = tpu.vector_load %arg17[%get3A_349, %get3A_350] {strides = array<i32>} : memref<128x128xf32, #tpu.memory_space<vmem>>, vector<16xf32>,
        %mul3A_352 = arith.mulf %get3A_348, %get3A_351 : vector<16xf32>
        %add3A_353 = arith.constant 112 : i32
        %add3A_354 = vector.broadcast %add3A_353 : i32 to vector<16xi32>
        %add3A_355 = arith.addi %iota3A, %add3A_354 : vector<16xi32>
        %gather3A_356 = tpu.vector_load_idx %arg13[%gather3A_261, %add3A_355] : memref<16x128xf32, #tpu.memory_space<vmem>>[vector<16xi32>, vector<16xi32>], vector<16xf32>,
        %mul3A_357 = arith.mulf %mul3A_352, %gather3A_356 : vector<16xf32>
        %add3A_358 = arith.addf %mul3A_273, %mul3A_285 : vector<16xf32>
        %add3A_359 = arith.addf %mul3A_297, %mul3A_309 : vector<16xf32>
        %add3A_360 = arith.addf %mul3A_321, %mul3A_333 : vector<16xf32>
        %add3A_361 = arith.addf %mul3A_345, %mul3A_357 : vector<16xf32>
        %add3A_362 = arith.addf %add3A_358, %add3A_359 : vector<16xf32>
        %add3A_363 = arith.addf %add3A_360, %add3A_361 : vector<16xf32>
        %add3A_364 = arith.addf %add3A_362, %add3A_363 : vector<16xf32>
        %cumsum3A_365 = arith.constant true
        %cumsum3A_366 = vector.broadcast %cumsum3A_365 : i1 to vector<16xi1>
        %cumsum3A_367 = tpu.scan <sum>, %add3A_364 masked %cumsum3A_366 : vector<16xf32>, vector<16xi1> -> vector<16xf32>
        %broadcast_in_dim3A_368 = vector.shape_cast %broadcast_in_dim3A_4 : vector<16xi32> to vector<16x1xi32>
        %gather3A_369 = vector.shape_cast %broadcast_in_dim3A_368 : vector<16x1xi32> to vector<16xi32>
        %gather3A_370 = tpu.dynamic_gather %cumsum3A_367[%gather3A_369] in [0] : vector<16xf32>, vector<16xi32> -> vector<16xf32>
        %eq3A_371 = vector.broadcast %scan3A_256 : i32 to vector<16xi32>
        %eq3A_372 = arith.cmpi eq, %iota3A, %eq3A_371 : vector<16xi32>
        %select_n3A_373 = arith.select %eq3A_372, %gather3A_370, %select_n3A : vector<16xi1>, vector<16xf32>
        scf.yield %select_n3A_373 : vector<16xf32>
      }
      %scan3A_135 = arith.constant 16 : i32
      %add3A_136 = arith.constant 128 : i32
      %add3A_137 = arith.addi %add3A_136, %mul3A_124 : i32
      %swap3A = arith.index_cast %add3A_137 : i32 to index
      %swap3A_138 = tpu.vector_load %arg18[%swap3A] {strides = array<i32>} : memref<512xf32, #tpu.memory_space<vmem>>, vector<16xf32>,
      tpu.vector_store %arg18[%swap3A], %scan3A_134 {strides = array<i32>} : memref<512xf32, #tpu.memory_space<vmem>>, vector<16xf32>,
      %scan3A_139 = arith.constant 0 : i32
      scf.yield %scan3A_139 : i32
    }
    %scan3A_78 = arith.constant 8 : i32
    %add3A_79 = arith.constant 384 : i32
    %add3A_80 = arith.addi %mul3A_2, %add3A_79 : i32
    %dma_start3A_81 = tpu.memref_slice %arg2[%add3A_80] : memref<16384xi32, #tpu.memory_space<hbm>> -> memref<128xi32, #tpu.memory_space<hbm>>
    %dma_start3A_82 = tpu.memref_slice %arg2[%add3A_80] : memref<16384xi32, #tpu.memory_space<hbm>> -> memref<128xi32, #tpu.memory_space<hbm>>
    tpu.enqueue_dma source(%dma_start3A_82 : memref<128xi32, #tpu.memory_space<hbm>>) target(%arg9 : memref<128xi32, #tpu.memory_space<vmem>>) target_semaphore(%arg24 : memref<!tpu.dma_semaphore, #tpu.memory_space<semaphore_mem>>)
    %dma_start3A_83 = tpu.memref_slice %arg3[%add3A_80] : memref<16384xi32, #tpu.memory_space<hbm>> -> memref<128xi32, #tpu.memory_space<hbm>>
    %dma_start3A_84 = tpu.memref_slice %arg3[%add3A_80] : memref<16384xi32, #tpu.memory_space<hbm>> -> memref<128xi32, #tpu.memory_space<hbm>>
    tpu.enqueue_dma source(%dma_start3A_84 : memref<128xi32, #tpu.memory_space<hbm>>) target(%arg11 : memref<128xi32, #tpu.memory_space<vmem>>) target_semaphore(%arg26 : memref<!tpu.dma_semaphore, #tpu.memory_space<semaphore_mem>>)
    %dma_wait3A_85 = tpu.memref_slice %arg2[%add3A_80] : memref<16384xi32, #tpu.memory_space<hbm>> -> memref<128xi32, #tpu.memory_space<hbm>>
    %dma_wait3A_86 = tpu.memref_slice %arg2[%add3A_80] : memref<16384xi32, #tpu.memory_space<hbm>> -> memref<128xi32, #tpu.memory_space<hbm>>
    tpu.wait_dma2 semaphore(%arg24 : memref<!tpu.dma_semaphore, #tpu.memory_space<semaphore_mem>>) src(%dma_wait3A_86 : memref<128xi32, #tpu.memory_space<hbm>>) dst(%arg9 : memref<128xi32, #tpu.memory_space<vmem>>)
    %dma_start3A_87 = arith.constant 0 : i32
    %dma_start3A_88 = arith.constant 0 : i32
    %dma_start3A_89 = tpu.memref_slice %arg5[%dma_start3A_87, %dma_start3A_88] : memref<100000x128xf32, #tpu.memory_space<hbm>> -> memref<100000x128xf32, #tpu.memory_space<hbm>>
    tpu.enqueue_indirect_dma source(%dma_start3A_89 : memref<100000x128xf32, #tpu.memory_space<hbm>>) target(%arg15 : memref<128x128xf32, #tpu.memory_space<vmem>>) offsets(%arg9 : memref<128xi32, #tpu.memory_space<vmem>>) semaphore(%arg20 : memref<!tpu.dma_semaphore, #tpu.memory_space<semaphore_mem>>)
    %dma_wait3A_90 = tpu.memref_slice %arg3[%add3A_80] : memref<16384xi32, #tpu.memory_space<hbm>> -> memref<128xi32, #tpu.memory_space<hbm>>
    %dma_wait3A_91 = tpu.memref_slice %arg3[%add3A_80] : memref<16384xi32, #tpu.memory_space<hbm>> -> memref<128xi32, #tpu.memory_space<hbm>>
    tpu.wait_dma2 semaphore(%arg26 : memref<!tpu.dma_semaphore, #tpu.memory_space<semaphore_mem>>) src(%dma_wait3A_91 : memref<128xi32, #tpu.memory_space<hbm>>) dst(%arg11 : memref<128xi32, #tpu.memory_space<vmem>>)
    %dma_start3A_92 = arith.constant 0 : i32
    %dma_start3A_93 = arith.constant 0 : i32
    %dma_start3A_94 = tpu.memref_slice %arg5[%dma_start3A_92, %dma_start3A_93] : memref<100000x128xf32, #tpu.memory_space<hbm>> -> memref<100000x128xf32, #tpu.memory_space<hbm>>
    tpu.enqueue_indirect_dma source(%dma_start3A_94 : memref<100000x128xf32, #tpu.memory_space<hbm>>) target(%arg17 : memref<128x128xf32, #tpu.memory_space<vmem>>) offsets(%arg11 : memref<128xi32, #tpu.memory_space<vmem>>) semaphore(%arg22 : memref<!tpu.dma_semaphore, #tpu.memory_space<semaphore_mem>>)
    %dma_wait3A_95 = arith.constant 0 : i32
    %dma_wait3A_96 = arith.constant 0 : i32
    %dma_wait3A_97 = tpu.memref_slice %arg5[%dma_wait3A_95, %dma_wait3A_96] : memref<100000x128xf32, #tpu.memory_space<hbm>> -> memref<100000x128xf32, #tpu.memory_space<hbm>>
    tpu.wait_indirect_dma semaphore(%arg19 : memref<!tpu.dma_semaphore, #tpu.memory_space<semaphore_mem>>) src(%dma_wait3A_97 : memref<100000x128xf32, #tpu.memory_space<hbm>>) dst(%arg14 : memref<128x128xf32, #tpu.memory_space<vmem>>)
    %dma_wait3A_98 = arith.constant 0 : i32
    %dma_wait3A_99 = arith.constant 0 : i32
    %dma_wait3A_100 = tpu.memref_slice %arg5[%dma_wait3A_98, %dma_wait3A_99] : memref<100000x128xf32, #tpu.memory_space<hbm>> -> memref<100000x128xf32, #tpu.memory_space<hbm>>
    tpu.wait_indirect_dma semaphore(%arg21 : memref<!tpu.dma_semaphore, #tpu.memory_space<semaphore_mem>>) src(%dma_wait3A_100 : memref<100000x128xf32, #tpu.memory_space<hbm>>) dst(%arg16 : memref<128x128xf32, #tpu.memory_space<vmem>>)
    %scan3A_101 = arith.constant 0 : i32
    %scan3A_102 = arith.constant 0 : i32
    %scan3A_103 = arith.constant 8 : i32
    %scan3A_104 = arith.addi %scan3A_102, %scan3A_103 : i32
    %scan3A_105 = arith.constant 1 : i32
    %scan3A_106 = scf.for %scan3A_121 = %scan3A_102 to %scan3A_104 step %scan3A_105 iter_args(%scan3A_122 = %scan3A_101) -> (i32)  : i32 {
      %mul3A_123 = arith.constant 16 : i32
      %mul3A_124 = arith.muli %scan3A_121, %mul3A_123 : i32
      %add3A_125 = arith.constant 256 : i32
      %add3A_126 = arith.addi %add3A_125, %mul3A_124 : i32
      %get3A = arith.index_cast %add3A_126 : i32 to index
      %get3A_127 = tpu.vector_load %arg12[%get3A] {strides = array<i32>} : memref<512xi32, #tpu.memory_space<vmem>>, vector<16xi32>,
      %broadcast_in_dim3A_128 = arith.constant 0.000000e+00 : f32
      %broadcast_in_dim3A_129 = vector.broadcast %broadcast_in_dim3A_128 : f32 to vector<16xf32>
      %scan3A_130 = arith.constant 0 : i32
      %scan3A_131 = arith.constant 16 : i32
      %scan3A_132 = arith.addi %scan3A_130, %scan3A_131 : i32
      %scan3A_133 = arith.constant 2 : i32
      %scan3A_134 = scf.for %scan3A_140 = %scan3A_130 to %scan3A_132 step %scan3A_133 iter_args(%scan3A_141 = %broadcast_in_dim3A_129) -> (vector<16xf32>)  : i32 {
        %add3A_142 = arith.addi %mul3A_124, %scan3A_140 : i32
        %broadcast_in_dim3A_143 = vector.broadcast %scan3A_140 : i32 to vector<16xi32>
        %broadcast_in_dim3A_144 = vector.shape_cast %broadcast_in_dim3A_143 : vector<16xi32> to vector<16x1xi32>
        %gather3A = vector.shape_cast %broadcast_in_dim3A_144 : vector<16x1xi32> to vector<16xi32>
        %gather3A_145 = tpu.dynamic_gather %get3A_127[%gather3A] in [0] : vector<16xi32>, vector<16xi32> -> vector<16xi32>
        %get3A_146 = arith.index_cast %add3A_142 : i32 to index
        %get3A_147 = arith.constant 0 : index
        %get3A_148 = tpu.vector_load %arg14[%get3A_146, %get3A_147] {strides = array<i32>} : memref<128x128xf32, #tpu.memory_space<vmem>>, vector<16xf32>,
        %get3A_149 = arith.index_cast %add3A_142 : i32 to index
        %get3A_150 = arith.constant 0 : index
        %get3A_151 = tpu.vector_load %arg16[%get3A_149, %get3A_150] {strides = array<i32>} : memref<128x128xf32, #tpu.memory_space<vmem>>, vector<16xf32>,
        %mul3A_152 = arith.mulf %get3A_148, %get3A_151 : vector<16xf32>
        %add3A_153 = arith.constant 0 : i32
        %add3A_154 = vector.broadcast %add3A_153 : i32 to vector<16xi32>
        %add3A_155 = arith.addi %iota3A, %add3A_154 : vector<16xi32>
        %gather3A_156 = tpu.vector_load_idx %arg13[%gather3A_145, %add3A_155] : memref<16x128xf32, #tpu.memory_space<vmem>>[vector<16xi32>, vector<16xi32>], vector<16xf32>,
        %mul3A_157 = arith.mulf %mul3A_152, %gather3A_156 : vector<16xf32>
        %get3A_158 = arith.index_cast %add3A_142 : i32 to index
        %get3A_159 = arith.constant 16 : index
        %get3A_160 = tpu.vector_load %arg14[%get3A_158, %get3A_159] {strides = array<i32>} : memref<128x128xf32, #tpu.memory_space<vmem>>, vector<16xf32>,
        %get3A_161 = arith.index_cast %add3A_142 : i32 to index
        %get3A_162 = arith.constant 16 : index
        %get3A_163 = tpu.vector_load %arg16[%get3A_161, %get3A_162] {strides = array<i32>} : memref<128x128xf32, #tpu.memory_space<vmem>>, vector<16xf32>,
        %mul3A_164 = arith.mulf %get3A_160, %get3A_163 : vector<16xf32>
        %add3A_165 = arith.constant 16 : i32
        %add3A_166 = vector.broadcast %add3A_165 : i32 to vector<16xi32>
        %add3A_167 = arith.addi %iota3A, %add3A_166 : vector<16xi32>
        %gather3A_168 = tpu.vector_load_idx %arg13[%gather3A_145, %add3A_167] : memref<16x128xf32, #tpu.memory_space<vmem>>[vector<16xi32>, vector<16xi32>], vector<16xf32>,
        %mul3A_169 = arith.mulf %mul3A_164, %gather3A_168 : vector<16xf32>
        %get3A_170 = arith.index_cast %add3A_142 : i32 to index
        %get3A_171 = arith.constant 32 : index
        %get3A_172 = tpu.vector_load %arg14[%get3A_170, %get3A_171] {strides = array<i32>} : memref<128x128xf32, #tpu.memory_space<vmem>>, vector<16xf32>,
        %get3A_173 = arith.index_cast %add3A_142 : i32 to index
        %get3A_174 = arith.constant 32 : index
        %get3A_175 = tpu.vector_load %arg16[%get3A_173, %get3A_174] {strides = array<i32>} : memref<128x128xf32, #tpu.memory_space<vmem>>, vector<16xf32>,
        %mul3A_176 = arith.mulf %get3A_172, %get3A_175 : vector<16xf32>
        %add3A_177 = arith.constant 32 : i32
        %add3A_178 = vector.broadcast %add3A_177 : i32 to vector<16xi32>
        %add3A_179 = arith.addi %iota3A, %add3A_178 : vector<16xi32>
        %gather3A_180 = tpu.vector_load_idx %arg13[%gather3A_145, %add3A_179] : memref<16x128xf32, #tpu.memory_space<vmem>>[vector<16xi32>, vector<16xi32>], vector<16xf32>,
        %mul3A_181 = arith.mulf %mul3A_176, %gather3A_180 : vector<16xf32>
        %get3A_182 = arith.index_cast %add3A_142 : i32 to index
        %get3A_183 = arith.constant 48 : index
        %get3A_184 = tpu.vector_load %arg14[%get3A_182, %get3A_183] {strides = array<i32>} : memref<128x128xf32, #tpu.memory_space<vmem>>, vector<16xf32>,
        %get3A_185 = arith.index_cast %add3A_142 : i32 to index
        %get3A_186 = arith.constant 48 : index
        %get3A_187 = tpu.vector_load %arg16[%get3A_185, %get3A_186] {strides = array<i32>} : memref<128x128xf32, #tpu.memory_space<vmem>>, vector<16xf32>,
        %mul3A_188 = arith.mulf %get3A_184, %get3A_187 : vector<16xf32>
        %add3A_189 = arith.constant 48 : i32
        %add3A_190 = vector.broadcast %add3A_189 : i32 to vector<16xi32>
        %add3A_191 = arith.addi %iota3A, %add3A_190 : vector<16xi32>
        %gather3A_192 = tpu.vector_load_idx %arg13[%gather3A_145, %add3A_191] : memref<16x128xf32, #tpu.memory_space<vmem>>[vector<16xi32>, vector<16xi32>], vector<16xf32>,
        %mul3A_193 = arith.mulf %mul3A_188, %gather3A_192 : vector<16xf32>
        %get3A_194 = arith.index_cast %add3A_142 : i32 to index
        %get3A_195 = arith.constant 64 : index
        %get3A_196 = tpu.vector_load %arg14[%get3A_194, %get3A_195] {strides = array<i32>} : memref<128x128xf32, #tpu.memory_space<vmem>>, vector<16xf32>,
        %get3A_197 = arith.index_cast %add3A_142 : i32 to index
        %get3A_198 = arith.constant 64 : index
        %get3A_199 = tpu.vector_load %arg16[%get3A_197, %get3A_198] {strides = array<i32>} : memref<128x128xf32, #tpu.memory_space<vmem>>, vector<16xf32>,
        %mul3A_200 = arith.mulf %get3A_196, %get3A_199 : vector<16xf32>
        %add3A_201 = arith.constant 64 : i32
        %add3A_202 = vector.broadcast %add3A_201 : i32 to vector<16xi32>
        %add3A_203 = arith.addi %iota3A, %add3A_202 : vector<16xi32>
        %gather3A_204 = tpu.vector_load_idx %arg13[%gather3A_145, %add3A_203] : memref<16x128xf32, #tpu.memory_space<vmem>>[vector<16xi32>, vector<16xi32>], vector<16xf32>,
        %mul3A_205 = arith.mulf %mul3A_200, %gather3A_204 : vector<16xf32>
        %get3A_206 = arith.index_cast %add3A_142 : i32 to index
        %get3A_207 = arith.constant 80 : index
        %get3A_208 = tpu.vector_load %arg14[%get3A_206, %get3A_207] {strides = array<i32>} : memref<128x128xf32, #tpu.memory_space<vmem>>, vector<16xf32>,
        %get3A_209 = arith.index_cast %add3A_142 : i32 to index
        %get3A_210 = arith.constant 80 : index
        %get3A_211 = tpu.vector_load %arg16[%get3A_209, %get3A_210] {strides = array<i32>} : memref<128x128xf32, #tpu.memory_space<vmem>>, vector<16xf32>,
        %mul3A_212 = arith.mulf %get3A_208, %get3A_211 : vector<16xf32>
        %add3A_213 = arith.constant 80 : i32
        %add3A_214 = vector.broadcast %add3A_213 : i32 to vector<16xi32>
        %add3A_215 = arith.addi %iota3A, %add3A_214 : vector<16xi32>
        %gather3A_216 = tpu.vector_load_idx %arg13[%gather3A_145, %add3A_215] : memref<16x128xf32, #tpu.memory_space<vmem>>[vector<16xi32>, vector<16xi32>], vector<16xf32>,
        %mul3A_217 = arith.mulf %mul3A_212, %gather3A_216 : vector<16xf32>
        %get3A_218 = arith.index_cast %add3A_142 : i32 to index
        %get3A_219 = arith.constant 96 : index
        %get3A_220 = tpu.vector_load %arg14[%get3A_218, %get3A_219] {strides = array<i32>} : memref<128x128xf32, #tpu.memory_space<vmem>>, vector<16xf32>,
        %get3A_221 = arith.index_cast %add3A_142 : i32 to index
        %get3A_222 = arith.constant 96 : index
        %get3A_223 = tpu.vector_load %arg16[%get3A_221, %get3A_222] {strides = array<i32>} : memref<128x128xf32, #tpu.memory_space<vmem>>, vector<16xf32>,
        %mul3A_224 = arith.mulf %get3A_220, %get3A_223 : vector<16xf32>
        %add3A_225 = arith.constant 96 : i32
        %add3A_226 = vector.broadcast %add3A_225 : i32 to vector<16xi32>
        %add3A_227 = arith.addi %iota3A, %add3A_226 : vector<16xi32>
        %gather3A_228 = tpu.vector_load_idx %arg13[%gather3A_145, %add3A_227] : memref<16x128xf32, #tpu.memory_space<vmem>>[vector<16xi32>, vector<16xi32>], vector<16xf32>,
        %mul3A_229 = arith.mulf %mul3A_224, %gather3A_228 : vector<16xf32>
        %get3A_230 = arith.index_cast %add3A_142 : i32 to index
        %get3A_231 = arith.constant 112 : index
        %get3A_232 = tpu.vector_load %arg14[%get3A_230, %get3A_231] {strides = array<i32>} : memref<128x128xf32, #tpu.memory_space<vmem>>, vector<16xf32>,
        %get3A_233 = arith.index_cast %add3A_142 : i32 to index
        %get3A_234 = arith.constant 112 : index
        %get3A_235 = tpu.vector_load %arg16[%get3A_233, %get3A_234] {strides = array<i32>} : memref<128x128xf32, #tpu.memory_space<vmem>>, vector<16xf32>,
        %mul3A_236 = arith.mulf %get3A_232, %get3A_235 : vector<16xf32>
        %add3A_237 = arith.constant 112 : i32
        %add3A_238 = vector.broadcast %add3A_237 : i32 to vector<16xi32>
        %add3A_239 = arith.addi %iota3A, %add3A_238 : vector<16xi32>
        %gather3A_240 = tpu.vector_load_idx %arg13[%gather3A_145, %add3A_239] : memref<16x128xf32, #tpu.memory_space<vmem>>[vector<16xi32>, vector<16xi32>], vector<16xf32>,
        %mul3A_241 = arith.mulf %mul3A_236, %gather3A_240 : vector<16xf32>
        %add3A_242 = arith.addf %mul3A_157, %mul3A_169 : vector<16xf32>
        %add3A_243 = arith.addf %mul3A_181, %mul3A_193 : vector<16xf32>
        %add3A_244 = arith.addf %mul3A_205, %mul3A_217 : vector<16xf32>
        %add3A_245 = arith.addf %mul3A_229, %mul3A_241 : vector<16xf32>
        %add3A_246 = arith.addf %add3A_242, %add3A_243 : vector<16xf32>
        %add3A_247 = arith.addf %add3A_244, %add3A_245 : vector<16xf32>
        %add3A_248 = arith.addf %add3A_246, %add3A_247 : vector<16xf32>
        %cumsum3A = arith.constant true
        %cumsum3A_249 = vector.broadcast %cumsum3A : i1 to vector<16xi1>
        %cumsum3A_250 = tpu.scan <sum>, %add3A_248 masked %cumsum3A_249 : vector<16xf32>, vector<16xi1> -> vector<16xf32>
        %broadcast_in_dim3A_251 = vector.shape_cast %broadcast_in_dim3A_4 : vector<16xi32> to vector<16x1xi32>
        %gather3A_252 = vector.shape_cast %broadcast_in_dim3A_251 : vector<16x1xi32> to vector<16xi32>
        %gather3A_253 = tpu.dynamic_gather %cumsum3A_250[%gather3A_252] in [0] : vector<16xf32>, vector<16xi32> -> vector<16xf32>
        %eq3A = vector.broadcast %scan3A_140 : i32 to vector<16xi32>
        %eq3A_254 = arith.cmpi eq, %iota3A, %eq3A : vector<16xi32>
        %select_n3A = arith.select %eq3A_254, %gather3A_253, %scan3A_141 : vector<16xi1>, vector<16xf32>
        %scan3A_255 = arith.constant 1 : i32
        %scan3A_256 = arith.addi %scan3A_140, %scan3A_255 : i32
        %add3A_257 = arith.addi %mul3A_124, %scan3A_256 : i32
        %broadcast_in_dim3A_258 = vector.broadcast %scan3A_256 : i32 to vector<16xi32>
        %broadcast_in_dim3A_259 = vector.shape_cast %broadcast_in_dim3A_258 : vector<16xi32> to vector<16x1xi32>
        %gather3A_260 = vector.shape_cast %broadcast_in_dim3A_259 : vector<16x1xi32> to vector<16xi32>
        %gather3A_261 = tpu.dynamic_gather %get3A_127[%gather3A_260] in [0] : vector<16xi32>, vector<16xi32> -> vector<16xi32>
        %get3A_262 = arith.index_cast %add3A_257 : i32 to index
        %get3A_263 = arith.constant 0 : index
        %get3A_264 = tpu.vector_load %arg14[%get3A_262, %get3A_263] {strides = array<i32>} : memref<128x128xf32, #tpu.memory_space<vmem>>, vector<16xf32>,
        %get3A_265 = arith.index_cast %add3A_257 : i32 to index
        %get3A_266 = arith.constant 0 : index
        %get3A_267 = tpu.vector_load %arg16[%get3A_265, %get3A_266] {strides = array<i32>} : memref<128x128xf32, #tpu.memory_space<vmem>>, vector<16xf32>,
        %mul3A_268 = arith.mulf %get3A_264, %get3A_267 : vector<16xf32>
        %add3A_269 = arith.constant 0 : i32
        %add3A_270 = vector.broadcast %add3A_269 : i32 to vector<16xi32>
        %add3A_271 = arith.addi %iota3A, %add3A_270 : vector<16xi32>
        %gather3A_272 = tpu.vector_load_idx %arg13[%gather3A_261, %add3A_271] : memref<16x128xf32, #tpu.memory_space<vmem>>[vector<16xi32>, vector<16xi32>], vector<16xf32>,
        %mul3A_273 = arith.mulf %mul3A_268, %gather3A_272 : vector<16xf32>
        %get3A_274 = arith.index_cast %add3A_257 : i32 to index
        %get3A_275 = arith.constant 16 : index
        %get3A_276 = tpu.vector_load %arg14[%get3A_274, %get3A_275] {strides = array<i32>} : memref<128x128xf32, #tpu.memory_space<vmem>>, vector<16xf32>,
        %get3A_277 = arith.index_cast %add3A_257 : i32 to index
        %get3A_278 = arith.constant 16 : index
        %get3A_279 = tpu.vector_load %arg16[%get3A_277, %get3A_278] {strides = array<i32>} : memref<128x128xf32, #tpu.memory_space<vmem>>, vector<16xf32>,
        %mul3A_280 = arith.mulf %get3A_276, %get3A_279 : vector<16xf32>
        %add3A_281 = arith.constant 16 : i32
        %add3A_282 = vector.broadcast %add3A_281 : i32 to vector<16xi32>
        %add3A_283 = arith.addi %iota3A, %add3A_282 : vector<16xi32>
        %gather3A_284 = tpu.vector_load_idx %arg13[%gather3A_261, %add3A_283] : memref<16x128xf32, #tpu.memory_space<vmem>>[vector<16xi32>, vector<16xi32>], vector<16xf32>,
        %mul3A_285 = arith.mulf %mul3A_280, %gather3A_284 : vector<16xf32>
        %get3A_286 = arith.index_cast %add3A_257 : i32 to index
        %get3A_287 = arith.constant 32 : index
        %get3A_288 = tpu.vector_load %arg14[%get3A_286, %get3A_287] {strides = array<i32>} : memref<128x128xf32, #tpu.memory_space<vmem>>, vector<16xf32>,
        %get3A_289 = arith.index_cast %add3A_257 : i32 to index
        %get3A_290 = arith.constant 32 : index
        %get3A_291 = tpu.vector_load %arg16[%get3A_289, %get3A_290] {strides = array<i32>} : memref<128x128xf32, #tpu.memory_space<vmem>>, vector<16xf32>,
        %mul3A_292 = arith.mulf %get3A_288, %get3A_291 : vector<16xf32>
        %add3A_293 = arith.constant 32 : i32
        %add3A_294 = vector.broadcast %add3A_293 : i32 to vector<16xi32>
        %add3A_295 = arith.addi %iota3A, %add3A_294 : vector<16xi32>
        %gather3A_296 = tpu.vector_load_idx %arg13[%gather3A_261, %add3A_295] : memref<16x128xf32, #tpu.memory_space<vmem>>[vector<16xi32>, vector<16xi32>], vector<16xf32>,
        %mul3A_297 = arith.mulf %mul3A_292, %gather3A_296 : vector<16xf32>
        %get3A_298 = arith.index_cast %add3A_257 : i32 to index
        %get3A_299 = arith.constant 48 : index
        %get3A_300 = tpu.vector_load %arg14[%get3A_298, %get3A_299] {strides = array<i32>} : memref<128x128xf32, #tpu.memory_space<vmem>>, vector<16xf32>,
        %get3A_301 = arith.index_cast %add3A_257 : i32 to index
        %get3A_302 = arith.constant 48 : index
        %get3A_303 = tpu.vector_load %arg16[%get3A_301, %get3A_302] {strides = array<i32>} : memref<128x128xf32, #tpu.memory_space<vmem>>, vector<16xf32>,
        %mul3A_304 = arith.mulf %get3A_300, %get3A_303 : vector<16xf32>
        %add3A_305 = arith.constant 48 : i32
        %add3A_306 = vector.broadcast %add3A_305 : i32 to vector<16xi32>
        %add3A_307 = arith.addi %iota3A, %add3A_306 : vector<16xi32>
        %gather3A_308 = tpu.vector_load_idx %arg13[%gather3A_261, %add3A_307] : memref<16x128xf32, #tpu.memory_space<vmem>>[vector<16xi32>, vector<16xi32>], vector<16xf32>,
        %mul3A_309 = arith.mulf %mul3A_304, %gather3A_308 : vector<16xf32>
        %get3A_310 = arith.index_cast %add3A_257 : i32 to index
        %get3A_311 = arith.constant 64 : index
        %get3A_312 = tpu.vector_load %arg14[%get3A_310, %get3A_311] {strides = array<i32>} : memref<128x128xf32, #tpu.memory_space<vmem>>, vector<16xf32>,
        %get3A_313 = arith.index_cast %add3A_257 : i32 to index
        %get3A_314 = arith.constant 64 : index
        %get3A_315 = tpu.vector_load %arg16[%get3A_313, %get3A_314] {strides = array<i32>} : memref<128x128xf32, #tpu.memory_space<vmem>>, vector<16xf32>,
        %mul3A_316 = arith.mulf %get3A_312, %get3A_315 : vector<16xf32>
        %add3A_317 = arith.constant 64 : i32
        %add3A_318 = vector.broadcast %add3A_317 : i32 to vector<16xi32>
        %add3A_319 = arith.addi %iota3A, %add3A_318 : vector<16xi32>
        %gather3A_320 = tpu.vector_load_idx %arg13[%gather3A_261, %add3A_319] : memref<16x128xf32, #tpu.memory_space<vmem>>[vector<16xi32>, vector<16xi32>], vector<16xf32>,
        %mul3A_321 = arith.mulf %mul3A_316, %gather3A_320 : vector<16xf32>
        %get3A_322 = arith.index_cast %add3A_257 : i32 to index
        %get3A_323 = arith.constant 80 : index
        %get3A_324 = tpu.vector_load %arg14[%get3A_322, %get3A_323] {strides = array<i32>} : memref<128x128xf32, #tpu.memory_space<vmem>>, vector<16xf32>,
        %get3A_325 = arith.index_cast %add3A_257 : i32 to index
        %get3A_326 = arith.constant 80 : index
        %get3A_327 = tpu.vector_load %arg16[%get3A_325, %get3A_326] {strides = array<i32>} : memref<128x128xf32, #tpu.memory_space<vmem>>, vector<16xf32>,
        %mul3A_328 = arith.mulf %get3A_324, %get3A_327 : vector<16xf32>
        %add3A_329 = arith.constant 80 : i32
        %add3A_330 = vector.broadcast %add3A_329 : i32 to vector<16xi32>
        %add3A_331 = arith.addi %iota3A, %add3A_330 : vector<16xi32>
        %gather3A_332 = tpu.vector_load_idx %arg13[%gather3A_261, %add3A_331] : memref<16x128xf32, #tpu.memory_space<vmem>>[vector<16xi32>, vector<16xi32>], vector<16xf32>,
        %mul3A_333 = arith.mulf %mul3A_328, %gather3A_332 : vector<16xf32>
        %get3A_334 = arith.index_cast %add3A_257 : i32 to index
        %get3A_335 = arith.constant 96 : index
        %get3A_336 = tpu.vector_load %arg14[%get3A_334, %get3A_335] {strides = array<i32>} : memref<128x128xf32, #tpu.memory_space<vmem>>, vector<16xf32>,
        %get3A_337 = arith.index_cast %add3A_257 : i32 to index
        %get3A_338 = arith.constant 96 : index
        %get3A_339 = tpu.vector_load %arg16[%get3A_337, %get3A_338] {strides = array<i32>} : memref<128x128xf32, #tpu.memory_space<vmem>>, vector<16xf32>,
        %mul3A_340 = arith.mulf %get3A_336, %get3A_339 : vector<16xf32>
        %add3A_341 = arith.constant 96 : i32
        %add3A_342 = vector.broadcast %add3A_341 : i32 to vector<16xi32>
        %add3A_343 = arith.addi %iota3A, %add3A_342 : vector<16xi32>
        %gather3A_344 = tpu.vector_load_idx %arg13[%gather3A_261, %add3A_343] : memref<16x128xf32, #tpu.memory_space<vmem>>[vector<16xi32>, vector<16xi32>], vector<16xf32>,
        %mul3A_345 = arith.mulf %mul3A_340, %gather3A_344 : vector<16xf32>
        %get3A_346 = arith.index_cast %add3A_257 : i32 to index
        %get3A_347 = arith.constant 112 : index
        %get3A_348 = tpu.vector_load %arg14[%get3A_346, %get3A_347] {strides = array<i32>} : memref<128x128xf32, #tpu.memory_space<vmem>>, vector<16xf32>,
        %get3A_349 = arith.index_cast %add3A_257 : i32 to index
        %get3A_350 = arith.constant 112 : index
        %get3A_351 = tpu.vector_load %arg16[%get3A_349, %get3A_350] {strides = array<i32>} : memref<128x128xf32, #tpu.memory_space<vmem>>, vector<16xf32>,
        %mul3A_352 = arith.mulf %get3A_348, %get3A_351 : vector<16xf32>
        %add3A_353 = arith.constant 112 : i32
        %add3A_354 = vector.broadcast %add3A_353 : i32 to vector<16xi32>
        %add3A_355 = arith.addi %iota3A, %add3A_354 : vector<16xi32>
        %gather3A_356 = tpu.vector_load_idx %arg13[%gather3A_261, %add3A_355] : memref<16x128xf32, #tpu.memory_space<vmem>>[vector<16xi32>, vector<16xi32>], vector<16xf32>,
        %mul3A_357 = arith.mulf %mul3A_352, %gather3A_356 : vector<16xf32>
        %add3A_358 = arith.addf %mul3A_273, %mul3A_285 : vector<16xf32>
        %add3A_359 = arith.addf %mul3A_297, %mul3A_309 : vector<16xf32>
        %add3A_360 = arith.addf %mul3A_321, %mul3A_333 : vector<16xf32>
        %add3A_361 = arith.addf %mul3A_345, %mul3A_357 : vector<16xf32>
        %add3A_362 = arith.addf %add3A_358, %add3A_359 : vector<16xf32>
        %add3A_363 = arith.addf %add3A_360, %add3A_361 : vector<16xf32>
        %add3A_364 = arith.addf %add3A_362, %add3A_363 : vector<16xf32>
        %cumsum3A_365 = arith.constant true
        %cumsum3A_366 = vector.broadcast %cumsum3A_365 : i1 to vector<16xi1>
        %cumsum3A_367 = tpu.scan <sum>, %add3A_364 masked %cumsum3A_366 : vector<16xf32>, vector<16xi1> -> vector<16xf32>
        %broadcast_in_dim3A_368 = vector.shape_cast %broadcast_in_dim3A_4 : vector<16xi32> to vector<16x1xi32>
        %gather3A_369 = vector.shape_cast %broadcast_in_dim3A_368 : vector<16x1xi32> to vector<16xi32>
        %gather3A_370 = tpu.dynamic_gather %cumsum3A_367[%gather3A_369] in [0] : vector<16xf32>, vector<16xi32> -> vector<16xf32>
        %eq3A_371 = vector.broadcast %scan3A_256 : i32 to vector<16xi32>
        %eq3A_372 = arith.cmpi eq, %iota3A, %eq3A_371 : vector<16xi32>
        %select_n3A_373 = arith.select %eq3A_372, %gather3A_370, %select_n3A : vector<16xi1>, vector<16xf32>
        scf.yield %select_n3A_373 : vector<16xf32>
      }
      %scan3A_135 = arith.constant 16 : i32
      %add3A_136 = arith.constant 256 : i32
      %add3A_137 = arith.addi %add3A_136, %mul3A_124 : i32
      %swap3A = arith.index_cast %add3A_137 : i32 to index
      %swap3A_138 = tpu.vector_load %arg18[%swap3A] {strides = array<i32>} : memref<512xf32, #tpu.memory_space<vmem>>, vector<16xf32>,
      tpu.vector_store %arg18[%swap3A], %scan3A_134 {strides = array<i32>} : memref<512xf32, #tpu.memory_space<vmem>>, vector<16xf32>,
      %scan3A_139 = arith.constant 0 : i32
      scf.yield %scan3A_139 : i32
    }
    %scan3A_107 = arith.constant 8 : i32
    %dma_wait3A_108 = arith.constant 0 : i32
    %dma_wait3A_109 = arith.constant 0 : i32
    %dma_wait3A_110 = tpu.memref_slice %arg5[%dma_wait3A_108, %dma_wait3A_109] : memref<100000x128xf32, #tpu.memory_space<hbm>> -> memref<100000x128xf32, #tpu.memory_space<hbm>>
    tpu.wait_indirect_dma semaphore(%arg20 : memref<!tpu.dma_semaphore, #tpu.memory_space<semaphore_mem>>) src(%dma_wait3A_110 : memref<100000x128xf32, #tpu.memory_space<hbm>>) dst(%arg15 : memref<128x128xf32, #tpu.memory_space<vmem>>)
    %dma_wait3A_111 = arith.constant 0 : i32
    %dma_wait3A_112 = arith.constant 0 : i32
    %dma_wait3A_113 = tpu.memref_slice %arg5[%dma_wait3A_111, %dma_wait3A_112] : memref<100000x128xf32, #tpu.memory_space<hbm>> -> memref<100000x128xf32, #tpu.memory_space<hbm>>
    tpu.wait_indirect_dma semaphore(%arg22 : memref<!tpu.dma_semaphore, #tpu.memory_space<semaphore_mem>>) src(%dma_wait3A_113 : memref<100000x128xf32, #tpu.memory_space<hbm>>) dst(%arg17 : memref<128x128xf32, #tpu.memory_space<vmem>>)
    %scan3A_114 = arith.constant 0 : i32
    %scan3A_115 = arith.constant 0 : i32
    %scan3A_116 = arith.constant 8 : i32
    %scan3A_117 = arith.addi %scan3A_115, %scan3A_116 : i32
    %scan3A_118 = arith.constant 1 : i32
    %scan3A_119 = scf.for %scan3A_121 = %scan3A_115 to %scan3A_117 step %scan3A_118 iter_args(%scan3A_122 = %scan3A_114) -> (i32)  : i32 {
      %mul3A_123 = arith.constant 16 : i32
      %mul3A_124 = arith.muli %scan3A_121, %mul3A_123 : i32
      %add3A_125 = arith.constant 384 : i32
      %add3A_126 = arith.addi %add3A_125, %mul3A_124 : i32
      %get3A = arith.index_cast %add3A_126 : i32 to index
      %get3A_127 = tpu.vector_load %arg12[%get3A] {strides = array<i32>} : memref<512xi32, #tpu.memory_space<vmem>>, vector<16xi32>,
      %broadcast_in_dim3A_128 = arith.constant 0.000000e+00 : f32
      %broadcast_in_dim3A_129 = vector.broadcast %broadcast_in_dim3A_128 : f32 to vector<16xf32>
      %scan3A_130 = arith.constant 0 : i32
      %scan3A_131 = arith.constant 16 : i32
      %scan3A_132 = arith.addi %scan3A_130, %scan3A_131 : i32
      %scan3A_133 = arith.constant 2 : i32
      %scan3A_134 = scf.for %scan3A_140 = %scan3A_130 to %scan3A_132 step %scan3A_133 iter_args(%scan3A_141 = %broadcast_in_dim3A_129) -> (vector<16xf32>)  : i32 {
        %add3A_142 = arith.addi %mul3A_124, %scan3A_140 : i32
        %broadcast_in_dim3A_143 = vector.broadcast %scan3A_140 : i32 to vector<16xi32>
        %broadcast_in_dim3A_144 = vector.shape_cast %broadcast_in_dim3A_143 : vector<16xi32> to vector<16x1xi32>
        %gather3A = vector.shape_cast %broadcast_in_dim3A_144 : vector<16x1xi32> to vector<16xi32>
        %gather3A_145 = tpu.dynamic_gather %get3A_127[%gather3A] in [0] : vector<16xi32>, vector<16xi32> -> vector<16xi32>
        %get3A_146 = arith.index_cast %add3A_142 : i32 to index
        %get3A_147 = arith.constant 0 : index
        %get3A_148 = tpu.vector_load %arg15[%get3A_146, %get3A_147] {strides = array<i32>} : memref<128x128xf32, #tpu.memory_space<vmem>>, vector<16xf32>,
        %get3A_149 = arith.index_cast %add3A_142 : i32 to index
        %get3A_150 = arith.constant 0 : index
        %get3A_151 = tpu.vector_load %arg17[%get3A_149, %get3A_150] {strides = array<i32>} : memref<128x128xf32, #tpu.memory_space<vmem>>, vector<16xf32>,
        %mul3A_152 = arith.mulf %get3A_148, %get3A_151 : vector<16xf32>
        %add3A_153 = arith.constant 0 : i32
        %add3A_154 = vector.broadcast %add3A_153 : i32 to vector<16xi32>
        %add3A_155 = arith.addi %iota3A, %add3A_154 : vector<16xi32>
        %gather3A_156 = tpu.vector_load_idx %arg13[%gather3A_145, %add3A_155] : memref<16x128xf32, #tpu.memory_space<vmem>>[vector<16xi32>, vector<16xi32>], vector<16xf32>,
        %mul3A_157 = arith.mulf %mul3A_152, %gather3A_156 : vector<16xf32>
        %get3A_158 = arith.index_cast %add3A_142 : i32 to index
        %get3A_159 = arith.constant 16 : index
        %get3A_160 = tpu.vector_load %arg15[%get3A_158, %get3A_159] {strides = array<i32>} : memref<128x128xf32, #tpu.memory_space<vmem>>, vector<16xf32>,
        %get3A_161 = arith.index_cast %add3A_142 : i32 to index
        %get3A_162 = arith.constant 16 : index
        %get3A_163 = tpu.vector_load %arg17[%get3A_161, %get3A_162] {strides = array<i32>} : memref<128x128xf32, #tpu.memory_space<vmem>>, vector<16xf32>,
        %mul3A_164 = arith.mulf %get3A_160, %get3A_163 : vector<16xf32>
        %add3A_165 = arith.constant 16 : i32
        %add3A_166 = vector.broadcast %add3A_165 : i32 to vector<16xi32>
        %add3A_167 = arith.addi %iota3A, %add3A_166 : vector<16xi32>
        %gather3A_168 = tpu.vector_load_idx %arg13[%gather3A_145, %add3A_167] : memref<16x128xf32, #tpu.memory_space<vmem>>[vector<16xi32>, vector<16xi32>], vector<16xf32>,
        %mul3A_169 = arith.mulf %mul3A_164, %gather3A_168 : vector<16xf32>
        %get3A_170 = arith.index_cast %add3A_142 : i32 to index
        %get3A_171 = arith.constant 32 : index
        %get3A_172 = tpu.vector_load %arg15[%get3A_170, %get3A_171] {strides = array<i32>} : memref<128x128xf32, #tpu.memory_space<vmem>>, vector<16xf32>,
        %get3A_173 = arith.index_cast %add3A_142 : i32 to index
        %get3A_174 = arith.constant 32 : index
        %get3A_175 = tpu.vector_load %arg17[%get3A_173, %get3A_174] {strides = array<i32>} : memref<128x128xf32, #tpu.memory_space<vmem>>, vector<16xf32>,
        %mul3A_176 = arith.mulf %get3A_172, %get3A_175 : vector<16xf32>
        %add3A_177 = arith.constant 32 : i32
        %add3A_178 = vector.broadcast %add3A_177 : i32 to vector<16xi32>
        %add3A_179 = arith.addi %iota3A, %add3A_178 : vector<16xi32>
        %gather3A_180 = tpu.vector_load_idx %arg13[%gather3A_145, %add3A_179] : memref<16x128xf32, #tpu.memory_space<vmem>>[vector<16xi32>, vector<16xi32>], vector<16xf32>,
        %mul3A_181 = arith.mulf %mul3A_176, %gather3A_180 : vector<16xf32>
        %get3A_182 = arith.index_cast %add3A_142 : i32 to index
        %get3A_183 = arith.constant 48 : index
        %get3A_184 = tpu.vector_load %arg15[%get3A_182, %get3A_183] {strides = array<i32>} : memref<128x128xf32, #tpu.memory_space<vmem>>, vector<16xf32>,
        %get3A_185 = arith.index_cast %add3A_142 : i32 to index
        %get3A_186 = arith.constant 48 : index
        %get3A_187 = tpu.vector_load %arg17[%get3A_185, %get3A_186] {strides = array<i32>} : memref<128x128xf32, #tpu.memory_space<vmem>>, vector<16xf32>,
        %mul3A_188 = arith.mulf %get3A_184, %get3A_187 : vector<16xf32>
        %add3A_189 = arith.constant 48 : i32
        %add3A_190 = vector.broadcast %add3A_189 : i32 to vector<16xi32>
        %add3A_191 = arith.addi %iota3A, %add3A_190 : vector<16xi32>
        %gather3A_192 = tpu.vector_load_idx %arg13[%gather3A_145, %add3A_191] : memref<16x128xf32, #tpu.memory_space<vmem>>[vector<16xi32>, vector<16xi32>], vector<16xf32>,
        %mul3A_193 = arith.mulf %mul3A_188, %gather3A_192 : vector<16xf32>
        %get3A_194 = arith.index_cast %add3A_142 : i32 to index
        %get3A_195 = arith.constant 64 : index
        %get3A_196 = tpu.vector_load %arg15[%get3A_194, %get3A_195] {strides = array<i32>} : memref<128x128xf32, #tpu.memory_space<vmem>>, vector<16xf32>,
        %get3A_197 = arith.index_cast %add3A_142 : i32 to index
        %get3A_198 = arith.constant 64 : index
        %get3A_199 = tpu.vector_load %arg17[%get3A_197, %get3A_198] {strides = array<i32>} : memref<128x128xf32, #tpu.memory_space<vmem>>, vector<16xf32>,
        %mul3A_200 = arith.mulf %get3A_196, %get3A_199 : vector<16xf32>
        %add3A_201 = arith.constant 64 : i32
        %add3A_202 = vector.broadcast %add3A_201 : i32 to vector<16xi32>
        %add3A_203 = arith.addi %iota3A, %add3A_202 : vector<16xi32>
        %gather3A_204 = tpu.vector_load_idx %arg13[%gather3A_145, %add3A_203] : memref<16x128xf32, #tpu.memory_space<vmem>>[vector<16xi32>, vector<16xi32>], vector<16xf32>,
        %mul3A_205 = arith.mulf %mul3A_200, %gather3A_204 : vector<16xf32>
        %get3A_206 = arith.index_cast %add3A_142 : i32 to index
        %get3A_207 = arith.constant 80 : index
        %get3A_208 = tpu.vector_load %arg15[%get3A_206, %get3A_207] {strides = array<i32>} : memref<128x128xf32, #tpu.memory_space<vmem>>, vector<16xf32>,
        %get3A_209 = arith.index_cast %add3A_142 : i32 to index
        %get3A_210 = arith.constant 80 : index
        %get3A_211 = tpu.vector_load %arg17[%get3A_209, %get3A_210] {strides = array<i32>} : memref<128x128xf32, #tpu.memory_space<vmem>>, vector<16xf32>,
        %mul3A_212 = arith.mulf %get3A_208, %get3A_211 : vector<16xf32>
        %add3A_213 = arith.constant 80 : i32
        %add3A_214 = vector.broadcast %add3A_213 : i32 to vector<16xi32>
        %add3A_215 = arith.addi %iota3A, %add3A_214 : vector<16xi32>
        %gather3A_216 = tpu.vector_load_idx %arg13[%gather3A_145, %add3A_215] : memref<16x128xf32, #tpu.memory_space<vmem>>[vector<16xi32>, vector<16xi32>], vector<16xf32>,
        %mul3A_217 = arith.mulf %mul3A_212, %gather3A_216 : vector<16xf32>
        %get3A_218 = arith.index_cast %add3A_142 : i32 to index
        %get3A_219 = arith.constant 96 : index
        %get3A_220 = tpu.vector_load %arg15[%get3A_218, %get3A_219] {strides = array<i32>} : memref<128x128xf32, #tpu.memory_space<vmem>>, vector<16xf32>,
        %get3A_221 = arith.index_cast %add3A_142 : i32 to index
        %get3A_222 = arith.constant 96 : index
        %get3A_223 = tpu.vector_load %arg17[%get3A_221, %get3A_222] {strides = array<i32>} : memref<128x128xf32, #tpu.memory_space<vmem>>, vector<16xf32>,
        %mul3A_224 = arith.mulf %get3A_220, %get3A_223 : vector<16xf32>
        %add3A_225 = arith.constant 96 : i32
        %add3A_226 = vector.broadcast %add3A_225 : i32 to vector<16xi32>
        %add3A_227 = arith.addi %iota3A, %add3A_226 : vector<16xi32>
        %gather3A_228 = tpu.vector_load_idx %arg13[%gather3A_145, %add3A_227] : memref<16x128xf32, #tpu.memory_space<vmem>>[vector<16xi32>, vector<16xi32>], vector<16xf32>,
        %mul3A_229 = arith.mulf %mul3A_224, %gather3A_228 : vector<16xf32>
        %get3A_230 = arith.index_cast %add3A_142 : i32 to index
        %get3A_231 = arith.constant 112 : index
        %get3A_232 = tpu.vector_load %arg15[%get3A_230, %get3A_231] {strides = array<i32>} : memref<128x128xf32, #tpu.memory_space<vmem>>, vector<16xf32>,
        %get3A_233 = arith.index_cast %add3A_142 : i32 to index
        %get3A_234 = arith.constant 112 : index
        %get3A_235 = tpu.vector_load %arg17[%get3A_233, %get3A_234] {strides = array<i32>} : memref<128x128xf32, #tpu.memory_space<vmem>>, vector<16xf32>,
        %mul3A_236 = arith.mulf %get3A_232, %get3A_235 : vector<16xf32>
        %add3A_237 = arith.constant 112 : i32
        %add3A_238 = vector.broadcast %add3A_237 : i32 to vector<16xi32>
        %add3A_239 = arith.addi %iota3A, %add3A_238 : vector<16xi32>
        %gather3A_240 = tpu.vector_load_idx %arg13[%gather3A_145, %add3A_239] : memref<16x128xf32, #tpu.memory_space<vmem>>[vector<16xi32>, vector<16xi32>], vector<16xf32>,
        %mul3A_241 = arith.mulf %mul3A_236, %gather3A_240 : vector<16xf32>
        %add3A_242 = arith.addf %mul3A_157, %mul3A_169 : vector<16xf32>
        %add3A_243 = arith.addf %mul3A_181, %mul3A_193 : vector<16xf32>
        %add3A_244 = arith.addf %mul3A_205, %mul3A_217 : vector<16xf32>
        %add3A_245 = arith.addf %mul3A_229, %mul3A_241 : vector<16xf32>
        %add3A_246 = arith.addf %add3A_242, %add3A_243 : vector<16xf32>
        %add3A_247 = arith.addf %add3A_244, %add3A_245 : vector<16xf32>
        %add3A_248 = arith.addf %add3A_246, %add3A_247 : vector<16xf32>
        %cumsum3A = arith.constant true
        %cumsum3A_249 = vector.broadcast %cumsum3A : i1 to vector<16xi1>
        %cumsum3A_250 = tpu.scan <sum>, %add3A_248 masked %cumsum3A_249 : vector<16xf32>, vector<16xi1> -> vector<16xf32>
        %broadcast_in_dim3A_251 = vector.shape_cast %broadcast_in_dim3A_4 : vector<16xi32> to vector<16x1xi32>
        %gather3A_252 = vector.shape_cast %broadcast_in_dim3A_251 : vector<16x1xi32> to vector<16xi32>
        %gather3A_253 = tpu.dynamic_gather %cumsum3A_250[%gather3A_252] in [0] : vector<16xf32>, vector<16xi32> -> vector<16xf32>
        %eq3A = vector.broadcast %scan3A_140 : i32 to vector<16xi32>
        %eq3A_254 = arith.cmpi eq, %iota3A, %eq3A : vector<16xi32>
        %select_n3A = arith.select %eq3A_254, %gather3A_253, %scan3A_141 : vector<16xi1>, vector<16xf32>
        %scan3A_255 = arith.constant 1 : i32
        %scan3A_256 = arith.addi %scan3A_140, %scan3A_255 : i32
        %add3A_257 = arith.addi %mul3A_124, %scan3A_256 : i32
        %broadcast_in_dim3A_258 = vector.broadcast %scan3A_256 : i32 to vector<16xi32>
        %broadcast_in_dim3A_259 = vector.shape_cast %broadcast_in_dim3A_258 : vector<16xi32> to vector<16x1xi32>
        %gather3A_260 = vector.shape_cast %broadcast_in_dim3A_259 : vector<16x1xi32> to vector<16xi32>
        %gather3A_261 = tpu.dynamic_gather %get3A_127[%gather3A_260] in [0] : vector<16xi32>, vector<16xi32> -> vector<16xi32>
        %get3A_262 = arith.index_cast %add3A_257 : i32 to index
        %get3A_263 = arith.constant 0 : index
        %get3A_264 = tpu.vector_load %arg15[%get3A_262, %get3A_263] {strides = array<i32>} : memref<128x128xf32, #tpu.memory_space<vmem>>, vector<16xf32>,
        %get3A_265 = arith.index_cast %add3A_257 : i32 to index
        %get3A_266 = arith.constant 0 : index
        %get3A_267 = tpu.vector_load %arg17[%get3A_265, %get3A_266] {strides = array<i32>} : memref<128x128xf32, #tpu.memory_space<vmem>>, vector<16xf32>,
        %mul3A_268 = arith.mulf %get3A_264, %get3A_267 : vector<16xf32>
        %add3A_269 = arith.constant 0 : i32
        %add3A_270 = vector.broadcast %add3A_269 : i32 to vector<16xi32>
        %add3A_271 = arith.addi %iota3A, %add3A_270 : vector<16xi32>
        %gather3A_272 = tpu.vector_load_idx %arg13[%gather3A_261, %add3A_271] : memref<16x128xf32, #tpu.memory_space<vmem>>[vector<16xi32>, vector<16xi32>], vector<16xf32>,
        %mul3A_273 = arith.mulf %mul3A_268, %gather3A_272 : vector<16xf32>
        %get3A_274 = arith.index_cast %add3A_257 : i32 to index
        %get3A_275 = arith.constant 16 : index
        %get3A_276 = tpu.vector_load %arg15[%get3A_274, %get3A_275] {strides = array<i32>} : memref<128x128xf32, #tpu.memory_space<vmem>>, vector<16xf32>,
        %get3A_277 = arith.index_cast %add3A_257 : i32 to index
        %get3A_278 = arith.constant 16 : index
        %get3A_279 = tpu.vector_load %arg17[%get3A_277, %get3A_278] {strides = array<i32>} : memref<128x128xf32, #tpu.memory_space<vmem>>, vector<16xf32>,
        %mul3A_280 = arith.mulf %get3A_276, %get3A_279 : vector<16xf32>
        %add3A_281 = arith.constant 16 : i32
        %add3A_282 = vector.broadcast %add3A_281 : i32 to vector<16xi32>
        %add3A_283 = arith.addi %iota3A, %add3A_282 : vector<16xi32>
        %gather3A_284 = tpu.vector_load_idx %arg13[%gather3A_261, %add3A_283] : memref<16x128xf32, #tpu.memory_space<vmem>>[vector<16xi32>, vector<16xi32>], vector<16xf32>,
        %mul3A_285 = arith.mulf %mul3A_280, %gather3A_284 : vector<16xf32>
        %get3A_286 = arith.index_cast %add3A_257 : i32 to index
        %get3A_287 = arith.constant 32 : index
        %get3A_288 = tpu.vector_load %arg15[%get3A_286, %get3A_287] {strides = array<i32>} : memref<128x128xf32, #tpu.memory_space<vmem>>, vector<16xf32>,
        %get3A_289 = arith.index_cast %add3A_257 : i32 to index
        %get3A_290 = arith.constant 32 : index
        %get3A_291 = tpu.vector_load %arg17[%get3A_289, %get3A_290] {strides = array<i32>} : memref<128x128xf32, #tpu.memory_space<vmem>>, vector<16xf32>,
        %mul3A_292 = arith.mulf %get3A_288, %get3A_291 : vector<16xf32>
        %add3A_293 = arith.constant 32 : i32
        %add3A_294 = vector.broadcast %add3A_293 : i32 to vector<16xi32>
        %add3A_295 = arith.addi %iota3A, %add3A_294 : vector<16xi32>
        %gather3A_296 = tpu.vector_load_idx %arg13[%gather3A_261, %add3A_295] : memref<16x128xf32, #tpu.memory_space<vmem>>[vector<16xi32>, vector<16xi32>], vector<16xf32>,
        %mul3A_297 = arith.mulf %mul3A_292, %gather3A_296 : vector<16xf32>
        %get3A_298 = arith.index_cast %add3A_257 : i32 to index
        %get3A_299 = arith.constant 48 : index
        %get3A_300 = tpu.vector_load %arg15[%get3A_298, %get3A_299] {strides = array<i32>} : memref<128x128xf32, #tpu.memory_space<vmem>>, vector<16xf32>,
        %get3A_301 = arith.index_cast %add3A_257 : i32 to index
        %get3A_302 = arith.constant 48 : index
        %get3A_303 = tpu.vector_load %arg17[%get3A_301, %get3A_302] {strides = array<i32>} : memref<128x128xf32, #tpu.memory_space<vmem>>, vector<16xf32>,
        %mul3A_304 = arith.mulf %get3A_300, %get3A_303 : vector<16xf32>
        %add3A_305 = arith.constant 48 : i32
        %add3A_306 = vector.broadcast %add3A_305 : i32 to vector<16xi32>
        %add3A_307 = arith.addi %iota3A, %add3A_306 : vector<16xi32>
        %gather3A_308 = tpu.vector_load_idx %arg13[%gather3A_261, %add3A_307] : memref<16x128xf32, #tpu.memory_space<vmem>>[vector<16xi32>, vector<16xi32>], vector<16xf32>,
        %mul3A_309 = arith.mulf %mul3A_304, %gather3A_308 : vector<16xf32>
        %get3A_310 = arith.index_cast %add3A_257 : i32 to index
        %get3A_311 = arith.constant 64 : index
        %get3A_312 = tpu.vector_load %arg15[%get3A_310, %get3A_311] {strides = array<i32>} : memref<128x128xf32, #tpu.memory_space<vmem>>, vector<16xf32>,
        %get3A_313 = arith.index_cast %add3A_257 : i32 to index
        %get3A_314 = arith.constant 64 : index
        %get3A_315 = tpu.vector_load %arg17[%get3A_313, %get3A_314] {strides = array<i32>} : memref<128x128xf32, #tpu.memory_space<vmem>>, vector<16xf32>,
        %mul3A_316 = arith.mulf %get3A_312, %get3A_315 : vector<16xf32>
        %add3A_317 = arith.constant 64 : i32
        %add3A_318 = vector.broadcast %add3A_317 : i32 to vector<16xi32>
        %add3A_319 = arith.addi %iota3A, %add3A_318 : vector<16xi32>
        %gather3A_320 = tpu.vector_load_idx %arg13[%gather3A_261, %add3A_319] : memref<16x128xf32, #tpu.memory_space<vmem>>[vector<16xi32>, vector<16xi32>], vector<16xf32>,
        %mul3A_321 = arith.mulf %mul3A_316, %gather3A_320 : vector<16xf32>
        %get3A_322 = arith.index_cast %add3A_257 : i32 to index
        %get3A_323 = arith.constant 80 : index
        %get3A_324 = tpu.vector_load %arg15[%get3A_322, %get3A_323] {strides = array<i32>} : memref<128x128xf32, #tpu.memory_space<vmem>>, vector<16xf32>,
        %get3A_325 = arith.index_cast %add3A_257 : i32 to index
        %get3A_326 = arith.constant 80 : index
        %get3A_327 = tpu.vector_load %arg17[%get3A_325, %get3A_326] {strides = array<i32>} : memref<128x128xf32, #tpu.memory_space<vmem>>, vector<16xf32>,
        %mul3A_328 = arith.mulf %get3A_324, %get3A_327 : vector<16xf32>
        %add3A_329 = arith.constant 80 : i32
        %add3A_330 = vector.broadcast %add3A_329 : i32 to vector<16xi32>
        %add3A_331 = arith.addi %iota3A, %add3A_330 : vector<16xi32>
        %gather3A_332 = tpu.vector_load_idx %arg13[%gather3A_261, %add3A_331] : memref<16x128xf32, #tpu.memory_space<vmem>>[vector<16xi32>, vector<16xi32>], vector<16xf32>,
        %mul3A_333 = arith.mulf %mul3A_328, %gather3A_332 : vector<16xf32>
        %get3A_334 = arith.index_cast %add3A_257 : i32 to index
        %get3A_335 = arith.constant 96 : index
        %get3A_336 = tpu.vector_load %arg15[%get3A_334, %get3A_335] {strides = array<i32>} : memref<128x128xf32, #tpu.memory_space<vmem>>, vector<16xf32>,
        %get3A_337 = arith.index_cast %add3A_257 : i32 to index
        %get3A_338 = arith.constant 96 : index
        %get3A_339 = tpu.vector_load %arg17[%get3A_337, %get3A_338] {strides = array<i32>} : memref<128x128xf32, #tpu.memory_space<vmem>>, vector<16xf32>,
        %mul3A_340 = arith.mulf %get3A_336, %get3A_339 : vector<16xf32>
        %add3A_341 = arith.constant 96 : i32
        %add3A_342 = vector.broadcast %add3A_341 : i32 to vector<16xi32>
        %add3A_343 = arith.addi %iota3A, %add3A_342 : vector<16xi32>
        %gather3A_344 = tpu.vector_load_idx %arg13[%gather3A_261, %add3A_343] : memref<16x128xf32, #tpu.memory_space<vmem>>[vector<16xi32>, vector<16xi32>], vector<16xf32>,
        %mul3A_345 = arith.mulf %mul3A_340, %gather3A_344 : vector<16xf32>
        %get3A_346 = arith.index_cast %add3A_257 : i32 to index
        %get3A_347 = arith.constant 112 : index
        %get3A_348 = tpu.vector_load %arg15[%get3A_346, %get3A_347] {strides = array<i32>} : memref<128x128xf32, #tpu.memory_space<vmem>>, vector<16xf32>,
        %get3A_349 = arith.index_cast %add3A_257 : i32 to index
        %get3A_350 = arith.constant 112 : index
        %get3A_351 = tpu.vector_load %arg17[%get3A_349, %get3A_350] {strides = array<i32>} : memref<128x128xf32, #tpu.memory_space<vmem>>, vector<16xf32>,
        %mul3A_352 = arith.mulf %get3A_348, %get3A_351 : vector<16xf32>
        %add3A_353 = arith.constant 112 : i32
        %add3A_354 = vector.broadcast %add3A_353 : i32 to vector<16xi32>
        %add3A_355 = arith.addi %iota3A, %add3A_354 : vector<16xi32>
        %gather3A_356 = tpu.vector_load_idx %arg13[%gather3A_261, %add3A_355] : memref<16x128xf32, #tpu.memory_space<vmem>>[vector<16xi32>, vector<16xi32>], vector<16xf32>,
        %mul3A_357 = arith.mulf %mul3A_352, %gather3A_356 : vector<16xf32>
        %add3A_358 = arith.addf %mul3A_273, %mul3A_285 : vector<16xf32>
        %add3A_359 = arith.addf %mul3A_297, %mul3A_309 : vector<16xf32>
        %add3A_360 = arith.addf %mul3A_321, %mul3A_333 : vector<16xf32>
        %add3A_361 = arith.addf %mul3A_345, %mul3A_357 : vector<16xf32>
        %add3A_362 = arith.addf %add3A_358, %add3A_359 : vector<16xf32>
        %add3A_363 = arith.addf %add3A_360, %add3A_361 : vector<16xf32>
        %add3A_364 = arith.addf %add3A_362, %add3A_363 : vector<16xf32>
        %cumsum3A_365 = arith.constant true
        %cumsum3A_366 = vector.broadcast %cumsum3A_365 : i1 to vector<16xi1>
        %cumsum3A_367 = tpu.scan <sum>, %add3A_364 masked %cumsum3A_366 : vector<16xf32>, vector<16xi1> -> vector<16xf32>
        %broadcast_in_dim3A_368 = vector.shape_cast %broadcast_in_dim3A_4 : vector<16xi32> to vector<16x1xi32>
        %gather3A_369 = vector.shape_cast %broadcast_in_dim3A_368 : vector<16x1xi32> to vector<16xi32>
        %gather3A_370 = tpu.dynamic_gather %cumsum3A_367[%gather3A_369] in [0] : vector<16xf32>, vector<16xi32> -> vector<16xf32>
        %eq3A_371 = vector.broadcast %scan3A_256 : i32 to vector<16xi32>
        %eq3A_372 = arith.cmpi eq, %iota3A, %eq3A_371 : vector<16xi32>
        %select_n3A_373 = arith.select %eq3A_372, %gather3A_370, %select_n3A : vector<16xi1>, vector<16xf32>
        scf.yield %select_n3A_373 : vector<16xf32>
      }
      %scan3A_135 = arith.constant 16 : i32
      %add3A_136 = arith.constant 384 : i32
      %add3A_137 = arith.addi %add3A_136, %mul3A_124 : i32
      %swap3A = arith.index_cast %add3A_137 : i32 to index
      %swap3A_138 = tpu.vector_load %arg18[%swap3A] {strides = array<i32>} : memref<512xf32, #tpu.memory_space<vmem>>, vector<16xf32>,
      tpu.vector_store %arg18[%swap3A], %scan3A_134 {strides = array<i32>} : memref<512xf32, #tpu.memory_space<vmem>>, vector<16xf32>,
      %scan3A_139 = arith.constant 0 : i32
      scf.yield %scan3A_139 : i32
    }
    %scan3A_120 = arith.constant 8 : i32
    "tpu.region"() ({
      %run_scoped3A = tpu.sem_alloc : memref<!tpu.dma_semaphore, #tpu.memory_space<semaphore_mem>>
      %dma_start3A_121 = tpu.memref_slice %arg7[%mul3A_2] : memref<16384xf32, #tpu.memory_space<hbm>> -> memref<512xf32, #tpu.memory_space<hbm>>
      %dma_start3A_122 = tpu.memref_slice %arg7[%mul3A_2] : memref<16384xf32, #tpu.memory_space<hbm>> -> memref<512xf32, #tpu.memory_space<hbm>>
      tpu.enqueue_dma source(%arg18 : memref<512xf32, #tpu.memory_space<vmem>>) target(%dma_start3A_122 : memref<512xf32, #tpu.memory_space<hbm>>) target_semaphore(%run_scoped3A : memref<!tpu.dma_semaphore, #tpu.memory_space<semaphore_mem>>)
      %dma_wait3A_123 = tpu.memref_slice %arg7[%mul3A_2] : memref<16384xf32, #tpu.memory_space<hbm>> -> memref<512xf32, #tpu.memory_space<hbm>>
      %dma_wait3A_124 = tpu.memref_slice %arg7[%mul3A_2] : memref<16384xf32, #tpu.memory_space<hbm>> -> memref<512xf32, #tpu.memory_space<hbm>>
      tpu.wait_dma2 semaphore(%run_scoped3A : memref<!tpu.dma_semaphore, #tpu.memory_space<semaphore_mem>>) src(%arg18 : memref<512xf32, #tpu.memory_space<vmem>>) dst(%dma_wait3A_124 : memref<512xf32, #tpu.memory_space<hbm>>)
      tpu.yield
    }) : () -> ()
    return
  }
}

</mosaic_0001>

<sc_bundles>
// kernel: kernel.3.cloned.1.call-start
scs
__scs_entry_jumppad:
0x0: {  	(pc) =	sbr.rel $0x88, $3  }
0x1: {  	(tag) =	ssettag $0x0;
	lr =	simm.s32 $0x1  }
0x2: {  	[smem:$0x3F9C] =	sst lr;
	_ =	strace $0xD0000000  }
0x3: {  	_ = 	snop  }
0x4: {  	_ = 	snop  }
0x5: {  	_ = 	snop  }
0x6: {  	_ = 	snop  }
0x7: {  	_ = 	snop  }
__scs_overlays_trampoline_lowered:
0x8: {  	[smem:$0x3FAB] =	sst s0  }
0x9: {  	[smem:$0x3FAC] =	sst s1  }
0xa: {  	[smem:$0x3FAD] =	sst s2  }
0xb: {  	[smem:$0x3FAE] =	sst s3  }
0xc: {  	[smem:$0x3FAF] =	sst s4  }
0xd: {  	[smem:$0x3FB0] =	sst s5  }
0xe: {  	[smem:$0x3FB1] =	sst s6  }
0xf: {  	[smem:$0x3FB2] =	sst s7  }
0x10: {  	[smem:$0x3FB3] =	sst s8  }
0x11: {  	[smem:$0x3FB4] =	sst s9;
	s0 =	simm.s32 @!p0 $0x0  }
0x12: {  	s1 =	sld [smem:$0x3F9A];
	s0 =	simm.s32 @p0 $0x1  }
0x13: {  	[smem:$0x3FB5] =	sst s0;
	s0 =	simm.s32 @!p1 $0x0  }
0x14: {  	s2 =	sld [smem:$0x3F99];
	s0 =	simm.s32 @p1 $0x1  }
0x15: {  	[smem:$0x3FB6] =	sst s0;
	s0 =	simm.s32 @!p2 $0x0  }
0x16: {  	s3 =	sld [smem:$0x3FDB];
	s0 =	simm.s32 @p2 $0x1  }
0x17: {  	s4 =	simm.s32 $0x1BF5;
	[smem:$0x3FB8] =	sst s0  }
0x18: {  	s0 =	sld [smem:$0x3F9B];
	_ =	swait.ge [sflag:s4], $0x0  }
0x19: {  	s7 =	sld [smem:$0x3F9C]  }
0x1a: {  	s8 =	sadd.s32 $0xFFFFE003, lr  }
0x1b: {  	s9 =	sadd.s32 $0xFFFFFEF7, lr;
	s5 =	simm.s32 $0xFFFFFFFF;
	p2 =	slt.u32 s8, $0xFFFFF086  }
0x1c: {  	p1 =	slt.u32 s9, $0xF7A;
	s5 =	simm.s32 @!p2 $0x0  }
0x1d: {  	s5 =	simm.s32 @p1 $0x1;
	p0 =	seq.s32 s7, s2  }
0x1e: {  	s7 =	smul.u32 @!p0 $0xF7A, s2;
	p2 =	seq.s32 @!p0 s5, $0x0  }
0x1f: {  	s9 =	smul.u32 $0xF7A, s1;
	s8 =	simm.s32 @!p0 $0x1BF5;
	p2 =	por !p2, p0  }
0x20: {  	[sflag:s8] =	ssyncset.s32 @!p0 $0xFFFFF086;
	s6 =	sadd.s32 @!p0 s3, s7;
	s7 =	simm.s32 @!p0 $0x108  }
0x21: {  	s3 =	sadd.s32 s3, s9;
	s6 =	sadd.s32 @!p0 $0x88, s6;
	s7 =	simm.s32 @p2 $0x1082  }
0x22: {  	[simem:s7], [sflag:s8] =	dma.local @!p0 [hbm:s6], $0xF7A  }
0x23: {  	s9 =	sor.u32 $0xD0000000, s2;
	s6 =	simm.s32 $0x108;
	_ =	swait.ge @!p0 [sflag:s8], $0x0  }
0x24: {  	s3 =	sadd.s32 $0x88, s3;
	s6 =	simm.s32 @!p1 $0x1082;
	[sflag:s4] =	ssyncset.s32 $0xFFFFF086  }
0x25: {  	[simem:s6], [sflag:s4] =	dma.local [hbm:s3], $0xF7A  }
0x26: {  	[smem:$0x3F9C] =	sst s1;
	(tag) =	ssettag s2;
	_ =	strace s9  }
0x27: {  	s1 =	sld [smem:$0x3FAC]  }
0x28: {  	s2 =	sld [smem:$0x3FAD]  }
0x29: {  	s4 =	sld [smem:$0x3FAF]  }
0x2a: {  	p0 =	seq.s32 s5, $0x0;
	s5 =	sld [smem:$0x3FB0]  }
0x2b: {  	s6 =	sld [smem:$0x3FB1]  }
0x2c: {  	s7 =	sld [smem:$0x3FB2]  }
0x2d: {  	s3 =	simm.s32 $0x108;
	s8 =	sld [smem:$0x3FB3]  }
0x2e: {  	s3 =	simm.s32 @!p0 $0x1082;
	s9 =	sld [smem:$0x3FB4]  }
0x2f: {  	lr =	sadd.s32 s0, s3;
	s0 =	sld [smem:$0x3FAB]  }
0x30: {  	s3 =	sld [smem:$0x3FAE]  }
0x31: {  	[smem:$0x3FB7] =	sst s10  }
0x32: {  	s10 =	sld [smem:$0x3FB5];
	_ =	sdelay $0x3  }
0x33: {  	p0 =	seq.s32 s10, $0x1;
	s10 =	sld [smem:$0x3FB7];
	_ =	sdelay $0x3  }
0x34: {  	[smem:$0x3FB7] =	sst s10  }
0x35: {  	s10 =	sld [smem:$0x3FB6];
	_ =	sdelay $0x3  }
0x36: {  	p1 =	seq.s32 s10, $0x1;
	s10 =	sld [smem:$0x3FB7];
	_ =	sdelay $0x3  }
0x37: {  	[smem:$0x3FB7] =	sst s10  }
0x38: {  	s10 =	sld [smem:$0x3FB8]  }
0x39: {  	_ = 	snop;
	(pc) =	sbr.ind lr, $3  }
0x3a: {  	_ = 	snop  }
0x3b: {  	_ = 	snop  }
0x3c: {  	p2 =	seq.s32 s10, $0x1;
	s10 =	sld [smem:$0x3FB7]  }
0x3d: {  	_ =	shalt  }
0x3e: {  	_ =	shalt  }
0x3f: {  	_ =	shalt  }
0x40: {  	_ =	shalt  }
0x41: {  	_ =	shalt  }
0x42: {  	_ =	shalt  }
0x43: {  	_ =	shalt  }
0x44: {  	_ =	shalt  }
0x45: {  	_ =	shalt  }
0x46: {  	_ =	shalt  }
0x47: {  	_ =	shalt  }
0x48: {  	_ =	shalt  }
0x49: {  	_ =	shalt  }
0x4a: {  	_ =	shalt  }
0x4b: {  	_ =	shalt  }
0x4c: {  	_ =	shalt  }
0x4d: {  	_ =	shalt  }
0x4e: {  	_ =	shalt  }
0x4f: {  	_ =	shalt  }
0x50: {  	_ =	shalt  }
0x51: {  	_ =	shalt  }
0x52: {  	_ =	shalt  }
0x53: {  	_ =	shalt  }
0x54: {  	_ =	shalt  }
0x55: {  	_ =	shalt  }
0x56: {  	_ =	shalt  }
0x57: {  	_ =	shalt  }
0x58: {  	_ =	shalt  }
0x59: {  	_ =	shalt  }
0x5a: {  	_ =	shalt  }
0x5b: {  	_ =	shalt  }
0x5c: {  	_ =	shalt  }
0x5d: {  	_ =	shalt  }
0x5e: {  	_ =	shalt  }
0x5f: {  	_ =	shalt  }
0x60: {  	_ =	shalt  }
0x61: {  	_ =	shalt  }
0x62: {  	_ =	shalt  }
0x63: {  	_ =	shalt  }
0x64: {  	_ =	shalt  }
0x65: {  	_ =	shalt  }
0x66: {  	_ =	shalt  }
0x67: {  	_ =	shalt  }
0x68: {  	_ =	shalt  }
0x69: {  	_ =	shalt  }
0x6a: {  	_ =	shalt  }
0x6b: {  	_ =	shalt  }
0x6c: {  	_ =	shalt  }
0x6d: {  	_ =	shalt  }
0x6e: {  	_ =	shalt  }
0x6f: {  	_ =	shalt  }
0x70: {  	_ =	shalt  }
0x71: {  	_ =	shalt  }
0x72: {  	_ =	shalt  }
0x73: {  	_ =	shalt  }
0x74: {  	_ =	shalt  }
0x75: {  	_ =	shalt  }
0x76: {  	_ =	shalt  }
0x77: {  	_ =	shalt  }
0x78: {  	_ =	shalt  }
0x79: {  	_ =	shalt  }
0x7a: {  	_ =	shalt  }
0x7b: {  	_ =	shalt  }
0x7c: {  	_ =	shalt  }
0x7d: {  	_ =	shalt  }
0x7e: {  	_ =	shalt  }
0x7f: {  	_ =	shalt  }
0x80: {  	_ =	shalt  }
0x81: {  	_ =	shalt  }
0x82: {  	_ =	shalt  }
0x83: {  	_ =	shalt  }
0x84: {  	_ =	shalt  }
0x85: {  	_ =	shalt  }
0x86: {  	_ =	shalt  }
0x87: {  	_ =	shalt  }
.Lfunc_end0:
.L_simem_size_0:
called_computation_lowered:
.L_overlay_start_0:
0x88: {  	s2 =	sld [smem:$0x3FD9]  }
0x89: {  	s3 =	sld [smem:$0x3FFE];
	_ =	sdelay $0x1  }
0x8a: {  	s1 =	srdreg.scid  }
0x8b: {  	s0 =	sand.u32 $0x1, s1  }
0x8c: {  	s18 =	sshll.u32 s0, $0xA;
	s2 =	sadd.s32 s3, s2  }
0x8d: {  	s2 =	sadd.s32 s2, s18  }
0x8e: {  	[smem:$0x3FC3] =	sst s2  }
0x8f: {  	_ = 	snop  }
0x90: {  	s2 =	sld [smem:$0x3FC9]  }
0x91: {  	s19 =	sld [smem:$0x3FC8]  }
0x92: {  	s4 =	sld [smem:$0x3FC7]  }
0x93: {  	s5 =	sld [smem:$0x3FC6]  }
0x94: {  	s6 =	sld [smem:$0x3FC5]  }
0x95: {  	s7 =	sld [smem:$0x3FD0];
	(tm) =	ssettm $0x1  }
0x96: {  	s8 =	sld [smem:$0x3FFB];
	_ =	sdelay $0x3  }
0x97: {  	_ =	strace s8  }
0x98: {  	s8 =	sld [smem:$0x3FFC];
	_ =	sdelay $0x3  }
0x99: {  	_ =	strace s8  }
0x9a: {  	s8 =	sld [smem:$0x3FFD];
	_ =	sdelay $0x3  }
0x9b: {  	_ =	strace s8  }
0x9c: {  	_ =	strace $0x8FFFFFFF  }
0x9d: {  	s20 =	sld [smem:$0x3FDB];
	_ =	sdelay $0x1  }
0x9e: {  	s9 =	simm.s32 $_scs_section_size  }
0x9f: {  	s10 =	simm.s32 $_size__tile_overlayer_lowered;
	s11 =	simm.s32 $_tile_overlayer_lowered  }
0xa0: {  	s23 =	simm.s32 $0x1BFF;
	s22 =	sshll.u32 s11, $0x1;
	s8 =	sadd.s32 s9, s20  }
0xa1: {  	s12 =	simm.s32 $0x0;
	s21 =	sshll.u32 s10, $0x1;
	s10 =	sadd.s32 s22, s8  }
0xa2: {  	[timem:s12], [sflag:s23] =	dma.local [hbm:s10], s21  }
0xa3: {  	_ =	swait.ge [sflag:s23], s21  }
0xa4: {  	s9 =	ssub.s32 $0x0, s21;
	[sflag:s23] =	ssyncset.done $0x0  }
0xa5: {  	[sflag:s23] =	ssyncadd.s32 s9;
	_ =	sdelay $0x1  }
0xa6: {  	s24 =	simm.s32 $0x1B8B  }
0xa7: {  	_ =	swait.ge [sflag:s24], $0x1  }
0xa8: {  	[sflag:s24] =	ssyncset.done $0x0  }
0xa9: {  	s25 =	simm.s32 $0x1B8E;
	[sflag:s24] =	ssyncadd.s32 $0xFFFFFFFF  }
0xaa: {  	s26 =	simm.s32 $execute0_lowered;
	[smem:$0x3FD2] =	sst s25  }
0xab: {  	s9 =	sshll.u32 s26, $0x1;
	_ =	strace $0x80000046;
	[dreg:$0x1] =	wrdreg $0xFFFFFFFF  }
0xac: {  	s28 =	simm.s32 $_size_execute0_lowered;
	s8 =	sadd.s32 s8, s9;
	[dreg:$0x0] =	wrdreg $0x0  }
0xad: {  	s9 =	sshll.u32 s28, $0x1;
	[dreg:$0x2] =	wrdreg s8  }
0xae: {  	[dreg:$0x3] =	wrdreg s9  }
0xaf: {  	[dreg:$0x4] =	wrdreg $0xC0  }
0xb0: {  	_ =	task [dreg:s12], $0x5FFFF  }
0xb1: {  	[dreg:$0x1] =	wrdreg $0xFFFFFFFF  }
0xb2: {  	[dreg:$0x0] =	wrdreg $0x60  }
0xb3: {  	[dreg:$0x2] =	wrdreg s2  }
0xb4: {  	[dreg:$0x3] =	wrdreg s19  }
0xb5: {  	[dreg:$0x4] =	wrdreg s4  }
0xb6: {  	[dreg:$0x5] =	wrdreg s5  }
0xb7: {  	[dreg:$0x6] =	wrdreg s6  }
0xb8: {  	[dreg:$0x7] =	wrdreg s7  }
0xb9: {  	[dreg:$0x8] =	wrdreg $0x9  }
0xba: {  	_ =	task.clear_ibuf [dreg:s12], $0x9FFFF;
	_ =	strace $0x90000046  }
0xbb: {  	s29 =	simm.s32 $0x9;
	_ =	strace $0x80000048  }
0xbc: {  	_ =	swait.ge [sflag:s29], $0x1  }
0xbd: {  	[sflag:s29] =	ssyncadd.s32 $0xFFFFFFFF  }
0xbe: {  	_ =	strace $0x90000048  }
0xbf: {  	_ =	sfence  }
0xc0: {  	s30 =	sld [smem:$0x0];
	_ =	sdelay $0x2  }
0xc1: {  	s31 =	sshll.u32 s1, $0xD;
	s1 =	sshrl.u32 s1, $0x2  }
0xc2: {  	s3 =	sand.u32 $0x4000, s31;
	s1 =	sadd.s32 s1, s30  }
0xc3: {  	s0 =	sor.u32 s3, s0;
	s1 =	sshll.u32 s1, $0x11  }
0xc4: {  	s0 =	sor.u32 s1, s0  }
0xc5: {  	s0 =	sadd.s32 $0x8F2B, s0  }
0xc6: {  	[sflag:s0] =	ssyncadd.remote.s32 $0x1  }
0xc7: {  	_ =	sfence.sel $0xFFFF  }
0xc8: {  	[dreg:$0x0] =	wrdreg $0xFFFFFFFF;
	(pc) =	sbr.abs _section_cstart, $3  }
0xc9: {  	[dreg:$0x1] =	wrdreg $0xFFFFFFFF  }
0xca: {  	_ =	task.clear_ibuf [dreg:s12], $0x2FFFF;
	_ =	strace $0x9FFFFFFF  }
0xcb: {  	(tm) =	ssettm $0x7FFFFFFF  }
tec
execute0_lowered:
.L_overlay_start_1:
0x0: {  	(tag) =	ssettag $0x1  }
0x1: {  	s0 =	rddreg [dreg:$0x0]  }
0x2: {  	s2 =	rddreg [dreg:$0x1]  }
0x3: {  	s3 =	rddreg [dreg:$0x2]  }
0x4: {  	s1 =	rddreg [dreg:$0x3]  }
0x5: {  	s5 =	rddreg [dreg:$0x5];
	s6 =	srdreg.scid;
	s4 =	simm.s32 $0x0  }
0x6: {  	s9 =	stileid.u32;
	s17 =	simm.s32 $0x400;
	s18 =	simm.s32 $0x100  }
0x7: {  	s19 =	simm.s32 $0x5;
	s20 =	simm.s32 $0x80;
	s11 =	simm.s32 $0xC00  }
0x8: {  	s28 =	simm.s32 $0x6;
	s30 =	simm.s32 $0x8;
	s16 =	simm.s32 $0x4  }
0x9: {  	s21 =	simm.s32 $0xB;
	s6 =	sand.u32 $0x1, s6;
	[smem:$0x7FF] =	sst s4  }
0xa: {  	s9 =	sshll.u32 s9, $0x7;
	s7 =	ssub.s32 $0x2, s6;
	s6 =	sshll.u32 s6, $0x6  }
0xb: {  	_ =	strace $0x80000047;
	s8 =	sshrl.u32 s7, $0x1;
	s6 =	sor.u32 s6, s9  }
0xc: {  	s7 =	ssub.s32 s7, s8;
	s3 =	sadd.s32 s3, s6;
	s22 =	sadd.s32 s0, s6  }
0xd: {  	s23 =	sor.u32 $0x10, s6;
	s24 =	sadd.s32 s2, s6;
	[dreg:$0x7] =	wrdreg s3  }
0xe: {  	s26 =	sor.u32 $0x20, s6;
	s31 =	sor.u32 $0x30, s6;
	[dreg:$0x8] =	wrdreg s22  }
0xf: {  	s14 =	sadd.s32 s5, s6;
	[dreg:$0x9] =	wrdreg s24;
	s25 =	sadd.s32 s0, s23  }
0x10: {  	s3 =	sadd.s32 s2, s23;
	s29 =	sadd.s32 s0, s26;
	s8 =	sadd.s32 s2, s26  }
0x11: {  	s12 =	sadd.s32 s0, s31;
	s13 =	sadd.s32 s2, s31;
	s15 =	smax.u32 s7, $0x1  }
0x12: {  	v0 =	vlaneseq.u32;
	s22 =	simm.s32 $0x7;
	s24 =	simm.s32 $0x9;
	[dreg:$0xa] =	wrdreg s25  }
0x13: {  	v8 =	vimm.s32 $0xF;
	v1 =	vor.u32 $0x10, v0;
	s26 =	simm.s32 $0x180;
	s0 =	simm.s32 $0x1;
	[dreg:$0xb] =	wrdreg s3  }
0x14: {  	v2 =	vor.u32 $0x20, v0;
	v3 =	vor.u32 $0x30, v0;
	v4 =	vor.u32 $0x40, v0;
	s2 =	simm.s32 $0x2;
	s23 =	simm.s32 $0x0;
	[dreg:$0xc] =	wrdreg s29  }
0x15: {  	v5 =	vor.u32 $0x50, v0;
	v6 =	vor.u32 $0x60, v0;
	v7 =	vor.u32 $0x70, v0;
	[dreg:$0xd] =	wrdreg s8;
	s25 =	simm.s32 $0xA;
	s3 =	simm.s32 $0x3  }
.LBB2_1:
0x16: {  	s5 =	rddreg [dreg:$0x7];
	s6 =	simm.s32 $0x200  }
0x17: {  	[tilespmem:s6], [sflag:$0x9] =	stream.linear.gather [hbm4b:s5+s4], $0x200, $0x38;
	[tilespmem:$0x10E00] =	vst v63  }
0x18: {  	s31 =	rddreg [dreg:$0x4]  }
0x19: {  	[tilespmem:s17], [sflag:$0xA] =	stream.linear.gather [hbm4b:s31+s4], $0x800, $0x38;
	[tilespmem:$0x10E00] =	vst v63  }
0x1a: {  	s6 =	rddreg [dreg:$0x8]  }
0x1b: {  	[tilespmem:s4], [sflag:$0x5] =	stream.linear.gather [hbm4b:s6+s4], $0x80, $0x38;
	[tilespmem:$0x10E00] =	vst v63  }
0x1c: {  	s7 =	rddreg [dreg:$0x9]  }
0x1d: {  	[tilespmem:s18], [sflag:$0x7] =	stream.linear.gather [hbm4b:s7+s4], $0x80, $0x38;
	[tilespmem:$0x10E00] =	vst v63  }
0x1e: {  	_ =	swait.ge [sflag:s19], $0x80  }
0x1f: {  	[sflag:s19] =	ssyncset.done $0x0  }
0x20: {  	[sflag:s19] =	ssyncadd.s32 $0xFFFFFF80  }
0x21: {  	[tilespmem:s11], [sflag:$0x1] =	stream.indirect.gather [hbm4b:s1+s20], $0x80, s4, s20, $0xb8;
	[tilespmem:$0x10E00] =	vst v63  }
0x22: {  	_ =	swait.ge [sflag:s22], $0x80  }
0x23: {  	[sflag:s22] =	ssyncset.done $0x0  }
0x24: {  	s8 =	simm.s32 $0x8C00;
	[sflag:s22] =	ssyncadd.s32 $0xFFFFFF80  }
0x25: {  	[tilespmem:s8], [sflag:$0x3] =	stream.indirect.gather [hbm4b:s1+s20], $0x80, s18, s20, $0xb8;
	[tilespmem:$0x10E00] =	vst v63  }
0x26: {  	_ =	swait.ge [sflag:s24], $0x200  }
0x27: {  	[sflag:s24] =	ssyncset.done $0x0  }
0x28: {  	[sflag:s24] =	ssyncadd.s32 $0xFFFFFE00  }
0x29: {  	_ =	swait.ge [sflag:s25], $0x800  }
0x2a: {  	[sflag:s25] =	ssyncset.done $0x0  }
0x2b: {  	s9 =	rddreg [dreg:$0xa];
	[sflag:s25] =	ssyncadd.s32 $0xFFFFF800  }
0x2c: {  	[tilespmem:s20], [sflag:$0x6] =	stream.linear.gather [hbm4b:s9+s4], $0x80, $0x38;
	[tilespmem:$0x10E00] =	vst v63  }
0x2d: {  	s10 =	rddreg [dreg:$0xb]  }
0x2e: {  	[tilespmem:s26], [sflag:$0x8] =	stream.linear.gather [hbm4b:s10+s4], $0x80, $0x38;
	[tilespmem:$0x10E00] =	vst v63  }
0x2f: {  	_ =	swait.ge [sflag:s28], $0x80  }
0x30: {  	[sflag:s28] =	ssyncset.done $0x0  }
0x31: {  	s29 =	simm.s32 $0x4C00;
	[sflag:s28] =	ssyncadd.s32 $0xFFFFFF80  }
0x32: {  	[tilespmem:s29], [sflag:$0x2] =	stream.indirect.gather [hbm4b:s1+s20], $0x80, s20, s20, $0xb8;
	[tilespmem:$0x10E00] =	vst v63  }
0x33: {  	_ =	swait.ge [sflag:s30], $0x80  }
0x34: {  	[sflag:s30] =	ssyncset.done $0x0  }
0x35: {  	s31 =	simm.s32 $0xCC00;
	[sflag:s30] =	ssyncadd.s32 $0xFFFFFF80  }
0x36: {  	[tilespmem:s31], [sflag:$0x4] =	stream.indirect.gather [hbm4b:s1+s20], $0x80, s26, s20, $0xb8;
	[tilespmem:$0x10E00] =	vst v63  }
0x37: {  	_ =	swait.ge [sflag:s0], $0x4000  }
0x38: {  	[sflag:s0] =	ssyncset.done $0x0  }
0x39: {  	[sflag:s0] =	ssyncadd.s32 $0xFFFFC000  }
0x3a: {  	_ =	swait.ge [sflag:s3], $0x4000  }
0x3b: {  	s5 =	simm.s32 $0x8C80;
	[sflag:s3] =	ssyncset.done $0x0  }
0x3c: {  	s6 =	simm.s32 $0xC80;
	s7 =	simm.s32 $0x0;
	[sflag:s3] =	ssyncadd.s32 $0xFFFFC000  }
.LBB2_2:
0x3d: {  	v39 =	vld [tilespmem:s6+$0x0]  }
0x3e: {  	v40 =	vld [tilespmem:s5+$0x0]  }
0x3f: {  	v41 =	vld [tilespmem:s6+$0x10]  }
0x40: {  	v50 =	vld [tilespmem:s5+$0x10]  }
0x41: {  	v54 =	vld [tilespmem:s6+$0x20]  }
0x42: {  	v55 =	vld [tilespmem:s5+$0x20]  }
0x43: {  	v13 =	vld [tilespmem:s6+$0x30]  }
0x44: {  	v14 =	vld [tilespmem:s5+$0x30]  }
0x45: {  	v15 =	vld [tilespmem:s6+$0x40]  }
0x46: {  	v17 =	vld [tilespmem:s5+$0x40]  }
0x47: {  	v16 =	vld [tilespmem:s6+$0x50]  }
0x48: {  	v18 =	vld [tilespmem:s5+$0x50]  }
0x49: {  	v20 =	vld [tilespmem:s6+$0x60]  }
0x4a: {  	v22 =	vld [tilespmem:s5+$0x60]  }
0x4b: {  	v19 =	vld [tilespmem:s6+$0x70]  }
0x4c: {  	v21 =	vld [tilespmem:s5+$0x70]  }
0x4d: {  	v24 =	vld [tilespmem:s6+$0xFFFFFF80]  }
0x4e: {  	v28 =	vld [tilespmem:s5+$0xFFFFFF80]  }
0x4f: {  	v23 =	vld [tilespmem:s6+$0xFFFFFF90]  }
0x50: {  	s8 =	sshll.u32 s7, $0x4;
	v25 =	vld [tilespmem:s5+$0xFFFFFF90]  }
0x51: {  	v12 =	vld [tilespmem:s8+$0x200]  }
0x52: {  	v26 =	vld [tilespmem:s6+$0xFFFFFFA0]  }
0x53: {  	v29 =	vld [tilespmem:s5+$0xFFFFFFA0]  }
0x54: {  	s9 =	simm.s32 $0x0;
	v27 =	vld [tilespmem:s6+$0xFFFFFFB0]  }
0x55: {  	v30 =	vld [tilespmem:s5+$0xFFFFFFB0];
	v9 =	vmov s9  }
0x56: {  	v31 =	vld [tilespmem:s6+$0xFFFFFFC0];
	v10 =	vperm.xlane v12, v9  }
0x57: {  	v32 =	vld [tilespmem:s5+$0xFFFFFFC0]  }
0x58: {  	v33 =	vld [tilespmem:s6+$0xFFFFFFD0];
	v45 =	vshll.u32 v10, $0x7  }
0x59: {  	v34 =	vld [tilespmem:s5+$0xFFFFFFD0];
	v10 =	vor.u32 v0, v45  }
0x5a: {  	v35 =	vld [tilespmem:s6+$0xFFFFFFE0];
	v43 =	vor.u32 v1, v45  }
0x5b: {  	v37 =	vld [tilespmem:s5+$0xFFFFFFE0];
	v44 =	vor.u32 v2, v45  }
0x5c: {  	v36 =	vld [tilespmem:s6+$0xFFFFFFF0];
	s31 =	simm.s32 $0x1;
	v46 =	vor.u32 v3, v45  }
0x5d: {  	v38 =	vld [tilespmem:s5+$0xFFFFFFF0];
	v11 =	vmov s31;
	v47 =	vor.u32 v4, v45  }
0x5e: {  	v48 =	vperm.xlane v12, v11;
	v56 =	vor.u32 v5, v45;
	v42 =	vld.idx.msk [tilespmem:v10+s17+$0x0], $0xffff  }
0x5f: {  	v53 =	vor.u32 v6, v45;
	v43 =	vld.idx.msk [tilespmem:v43+s17+$0x0], $0xffff  }
0x60: {  	v48 =	vshll.u32 v48, $0x7;
	v52 =	vor.u32 v7, v45;
	v44 =	vld.idx.msk [tilespmem:v44+s17+$0x0], $0xffff  }
0x61: {  	v51 =	vor.u32 v0, v48;
	v45 =	vld.idx.msk [tilespmem:v46+s17+$0x0], $0xffff  }
0x62: {  	v39 =	vmul.f32 v40, v39;
	v40 =	vmul.f32 v50, v41;
	v49 =	vor.u32 v1, v48;
	v46 =	vld.idx.msk [tilespmem:v47+s17+$0x0], $0xffff  }
0x63: {  	s29 =	simm.s32 $0x2;
	s10 =	smov.u32 s5;
	s9 =	smov.u32 s6;
	v41 =	vmul.f32 v55, v54;
	v50 =	vor.u32 v2, v48;
	v10 =	vimm.f32 $0.0e+00;
	v47 =	vld.idx.msk [tilespmem:v56+s17+$0x0], $0xffff  }
.LBB2_3:
0x64: {  	p0 =	slt.u32 s29, $0xE;
	v53 =	vld.idx.msk [tilespmem:v53+s17+$0x0], $0xffff;
	v13 =	vmul.f32 v14, v13;
	v14 =	vor.u32 v3, v48;
	v15 =	vmul.f32 v17, v15  }
0x65: {  	v16 =	vmul.f32 v18, v16;
	v18 =	vmul.f32 v22, v20;
	v17 =	vld.idx.msk [tilespmem:v52+s17+$0x0], $0xffff;
	v52 =	vor.u32 v4, v48  }
0x66: {  	v20 =	vmul.f32 v28, v24;
	v24 =	vor.u32 v5, v48;
	v19 =	vmul.f32 v21, v19;
	v22 =	vld.idx.msk [tilespmem:v51+s17+$0x0], $0xffff  }
0x67: {  	v21 =	vmul.f32 v25, v23;
	v23 =	vmul.f32 v29, v26;
	v26 =	vor.u32 v6, v48;
	v25 =	vld.idx.msk [tilespmem:v49+s17+$0x0], $0xffff  }
0x68: {  	v27 =	vmul.f32 v30, v27;
	v28 =	vmul.f32 v32, v31;
	v30 =	vor.u32 v7, v48;
	v29 =	vld.idx.msk [tilespmem:v50+s17+$0x0], $0xffff  }
0x69: {  	v31 =	vmul.f32 v34, v33;
	v32 =	vmul.f32 v37, v35;
	v14 =	vld.idx.msk [tilespmem:v14+s17+$0x0], $0xffff  }
0x6a: {  	v33 =	vmul.f32 v38, v36;
	v20 =	vmul.f32 v42, v20;
	v34 =	vld.idx.msk [tilespmem:v52+s17+$0x0], $0xffff  }
0x6b: {  	v21 =	vmul.f32 v43, v21;
	v23 =	vmul.f32 v44, v23;
	v24 =	vld.idx.msk [tilespmem:v24+s17+$0x0], $0xffff  }
0x6c: {  	v27 =	vmul.f32 v45, v27;
	v28 =	vmul.f32 v46, v28;
	v26 =	vld.idx.msk [tilespmem:v26+s17+$0x0], $0xffff  }
0x6d: {  	s9 =	sadd.s32 $0x100, s9;
	v31 =	vmul.f32 v47, v31;
	v32 =	vmul.f32 v53, v32;
	v30 =	vld.idx.msk [tilespmem:v30+s17+$0x0], $0xffff  }
0x6e: {  	s10 =	sadd.s32 $0x100, s10;
	v17 =	vmul.f32 v17, v33;
	v22 =	vmul.f32 v22, v39;
	v47 =	vld [tilespmem:s9+$0x0]  }
0x6f: {  	v25 =	vmul.f32 v25, v40;
	v29 =	vmul.f32 v29, v41;
	v39 =	vld [tilespmem:s10+$0x0]  }
0x70: {  	v13 =	vmul.f32 v14, v13;
	v15 =	vmul.f32 v34, v15;
	v40 =	vld [tilespmem:s9+$0x10]  }
0x71: {  	v14 =	vadd.f32 v21, v20;
	v20 =	vadd.f32 v27, v23;
	v16 =	vmul.f32 v24, v16;
	v41 =	vld [tilespmem:s10+$0x10]  }
0x72: {  	v17 =	vadd.f32 v17, v32;
	v21 =	vadd.f32 v31, v28;
	v18 =	vmul.f32 v26, v18;
	v50 =	vld [tilespmem:s9+$0x20]  }
0x73: {  	v22 =	vadd.f32 v25, v22;
	v23 =	vadd.f32 v13, v29;
	v19 =	vmul.f32 v30, v19;
	v54 =	vld [tilespmem:s10+$0x20]  }
0x74: {  	v20 =	vadd.f32 v20, v14;
	v17 =	vadd.f32 v17, v21;
	v13 =	vld [tilespmem:s9+$0x30]  }
0x75: {  	v16 =	vadd.f32 v16, v15;
	v18 =	vadd.f32 v19, v18;
	v14 =	vld [tilespmem:s10+$0x30]  }
0x76: {  	v19 =	vadd.f32 v17, v20;
	v15 =	vld [tilespmem:s9+$0x40]  }
0x77: {  	v20 =	vadd.f32 v23, v22;
	v21 =	vadd.f32 v18, v16;
	v17 =	vld [tilespmem:s10+$0x40]  }
0x78: {  	v16 =	vld [tilespmem:s9+$0x50];
	(xrf2) =	vadd.scan.msk.f32 $0xffff, v19  }
0x79: {  	v19 =	vadd.f32 v21, v20;
	v18 =	vld [tilespmem:s10+$0x50]  }
0x7a: {  	v20 =	vld [tilespmem:s9+$0x60]  }
0x7b: {  	v22 =	vld [tilespmem:s10+$0x60];
	(xrf2) =	vadd.scan.msk.f32 $0xffff, v19  }
0x7c: {  	v19 =	vld [tilespmem:s9+$0x70]  }
0x7d: {  	v21 =	vld [tilespmem:s10+$0x70]  }
0x7e: {  	v24 =	vld [tilespmem:s9+$0xFFFFFF80]  }
0x7f: {  	v28 =	vld [tilespmem:s10+$0xFFFFFF80]  }
0x80: {  	v23 =	vld [tilespmem:s9+$0xFFFFFF90]  }
0x81: {  	v25 =	vld [tilespmem:s10+$0xFFFFFF90]  }
0x82: {  	v26 =	vld [tilespmem:s9+$0xFFFFFFA0];
	v31, _, _ =	vpop (xrf2)  }
0x83: {  	v29 =	vld [tilespmem:s10+$0xFFFFFFA0]  }
0x84: {  	v27 =	vld [tilespmem:s9+$0xFFFFFFB0]  }
0x85: {  	v32 =	vmov s29;
	v33 =	vperm.xlane v31, v8;
	v30 =	vld [tilespmem:s10+$0xFFFFFFB0];
	v34, _, _ =	vpop (xrf2)  }
0x86: {  	vm0 =	veq.s32 v9, v0;
	v35 =	vperm.xlane v12, v32;
	v9 =	vmovc v32;
	v31 =	vld [tilespmem:s9+$0xFFFFFFC0];
	v34 =	vperm.xlane v34, v8  }
0x87: {  	v10 =	vsel vm0, v33, v10;
	vm0 =	veq.s32 v11, v0;
	v32 =	vld [tilespmem:s10+$0xFFFFFFC0]  }
0x88: {  	v45 =	vshll.u32 v35, $0x7;
	v33 =	vld [tilespmem:s9+$0xFFFFFFD0];
	v10 =	vsel vm0, v34, v10  }
0x89: {  	v42 =	vor.u32 v0, v45;
	v34 =	vld [tilespmem:s10+$0xFFFFFFD0]  }
0x8a: {  	v43 =	vor.u32 v1, v45;
	v35 =	vld [tilespmem:s9+$0xFFFFFFE0]  }
0x8b: {  	v44 =	vor.u32 v2, v45;
	v37 =	vld [tilespmem:s10+$0xFFFFFFE0]  }
0x8c: {  	s31 =	sadd.s32 $0x1, s29;
	v46 =	vor.u32 v3, v45;
	v36 =	vld [tilespmem:s9+$0xFFFFFFF0]  }
0x8d: {  	v49 =	vor.u32 v4, v45;
	v11 =	vmov s31;
	v38 =	vld [tilespmem:s10+$0xFFFFFFF0]  }
0x8e: {  	v55 =	vor.u32 v5, v45;
	v48 =	vperm.xlane v12, v11;
	v42 =	vld.idx.msk [tilespmem:v42+s17+$0x0], $0xffff  }
.Ltmp0:
0x8f: {  	v53 =	vor.u32 v6, v45;
	v43 =	vld.idx.msk [tilespmem:v43+s17+$0x0], $0xffff;
	(pc) =	sbr.rel @p0 .LBB2_3-.Ltmp0, $4  }
0x90: {  	v52 =	vor.u32 v7, v45;
	v48 =	vshll.u32 v48, $0x7;
	v44 =	vld.idx.msk [tilespmem:v44+s17+$0x0], $0xffff  }
0x91: {  	v51 =	vor.u32 v0, v48;
	v45 =	vld.idx.msk [tilespmem:v46+s17+$0x0], $0xffff  }
0x92: {  	v39 =	vmul.f32 v39, v47;
	v46 =	vld.idx.msk [tilespmem:v49+s17+$0x0], $0xffff;
	v49 =	vor.u32 v1, v48  }
0x93: {  	s29 =	sadd.s32 $0x2, s29;
	v40 =	vmul.f32 v41, v40;
	v41 =	vmul.f32 v54, v50;
	v50 =	vor.u32 v2, v48;
	v47 =	vld.idx.msk [tilespmem:v55+s17+$0x0], $0xffff  }
0x94: {  	_ =	sdelay $0x3  }
0x95: {  	v12 =	vld.idx.msk [tilespmem:v53+s17+$0x0], $0xffff;
	v13 =	vmul.f32 v14, v13;
	v14 =	vor.u32 v3, v48;
	v15 =	vmul.f32 v17, v15  }
0x96: {  	v17 =	vld.idx.msk [tilespmem:v52+s17+$0x0], $0xffff;
	v52 =	vor.u32 v4, v48;
	v16 =	vmul.f32 v18, v16;
	v18 =	vmul.f32 v22, v20  }
0x97: {  	v56 =	vmul.f32 v28, v24;
	v57 =	vld.idx.msk [tilespmem:v51+s17+$0x0], $0xffff;
	v58 =	vor.u32 v5, v48;
	v19 =	vmul.f32 v21, v19  }
0x98: {  	v59 =	vmul.f32 v25, v23;
	v60 =	vmul.f32 v29, v26;
	v61 =	vld.idx.msk [tilespmem:v49+s17+$0x0], $0xffff;
	v62 =	vor.u32 v6, v48  }
0x99: {  	v27 =	vmul.f32 v30, v27;
	v63 =	vmul.f32 v32, v31;
	v49 =	vld.idx.msk [tilespmem:v50+s17+$0x0], $0xffff;
	v50 =	vor.u32 v7, v48  }
0x9a: {  	v51 =	vmul.f32 v34, v33;
	v53 =	vmul.f32 v37, v35;
	v14 =	vld.idx.msk [tilespmem:v14+s17+$0x0], $0xffff  }
0x9b: {  	v54 =	vmul.f32 v38, v36;
	v20 =	vmul.f32 v42, v56;
	v55 =	vld.idx.msk [tilespmem:v52+s17+$0x0], $0xffff  }
0x9c: {  	v21 =	vmul.f32 v43, v59;
	v23 =	vmul.f32 v44, v60;
	v24 =	vld.idx.msk [tilespmem:v58+s17+$0x0], $0xffff  }
0x9d: {  	v27 =	vmul.f32 v45, v27;
	v28 =	vmul.f32 v46, v63;
	v26 =	vld.idx.msk [tilespmem:v62+s17+$0x0], $0xffff  }
0x9e: {  	v31 =	vmul.f32 v47, v51;
	v12 =	vmul.f32 v12, v53;
	v30 =	vld.idx.msk [tilespmem:v50+s17+$0x0], $0xffff  }
0x9f: {  	v17 =	vmul.f32 v17, v54;
	v22 =	vmul.f32 v57, v39  }
0xa0: {  	v25 =	vmul.f32 v61, v40;
	v29 =	vmul.f32 v49, v41  }
0xa1: {  	v57 =	vadd.f32 v21, v20;
	v58 =	vadd.f32 v27, v23;
	v13 =	vmul.f32 v14, v13  }
0xa2: {  	v59 =	vadd.f32 v31, v28;
	v56 =	vmul.f32 v55, v15;
	v16 =	vmul.f32 v24, v16  }
0xa3: {  	v12 =	vadd.f32 v17, v12;
	v60 =	vmul.f32 v26, v18;
	v61 =	vmul.f32 v30, v19  }
0xa4: {  	v62 =	vadd.f32 v25, v22;
	v13 =	vadd.f32 v13, v29  }
0xa5: {  	v14 =	vadd.f32 v16, v56;
	v63 =	vadd.f32 v61, v60  }
0xa6: {  	v12 =	vadd.f32 v12, v59;
	v15 =	vadd.f32 v58, v57  }
0xa7: {  	v13 =	vadd.f32 v13, v62;
	v14 =	vadd.f32 v63, v14  }
0xa8: {  	v12 =	vadd.f32 v12, v15  }
0xa9: {  	v13 =	vadd.f32 v14, v13  }
0xaa: {  	(xrf2) =	vadd.scan.msk.f32 $0xffff, v12  }
0xab: {  	(xrf2) =	vadd.scan.msk.f32 $0xffff, v13;
	_ =	sdelay $0x7  }
0xac: {  	s7 =	sadd.s32 $0x1, s7  }
0xad: {  	p0 =	sne.s32 s7, $0x8;
	v12, _, _ =	vpop (xrf2)  }
.Ltmp1:
0xae: {  	v12 =	vperm.xlane v12, v8;
	v13, _, _ =	vpop (xrf2);
	(pc) =	sbr.rel @p0 .LBB2_2-.Ltmp1, $4  }
0xaf: {  	vm0 =	veq.s32 v9, v0;
	v9 =	vperm.xlane v13, v8  }
0xb0: {  	vm15 =	veq.s32 v11, v0;
	v10 =	vsel vm0, v12, v10  }
0xb1: {  	v9 =	vsel vm15, v9, v10  }
0xb2: {  	s5 =	sadd.s32 $0x800, s5;
	s6 =	sadd.s32 $0x800, s6;
	[tilespmem:s8+$0x10C00] =	vst v9  }
0xb3: {  	s5 =	simm.s32 $0x0;
	s6 =	rddreg [dreg:$0xc]  }
0xb4: {  	[tilespmem:s5], [sflag:$0x5] =	stream.linear.gather [hbm4b:s6+s5], $0x80, $0x38;
	[tilespmem:$0x10E00] =	vst v63  }
0xb5: {  	s10 =	rddreg [dreg:$0xd]  }
0xb6: {  	[tilespmem:s18], [sflag:$0x7] =	stream.linear.gather [hbm4b:s10+s5], $0x80, $0x38;
	[tilespmem:$0x10E00] =	vst v63  }
0xb7: {  	_ =	swait.ge [sflag:s19], $0x80  }
0xb8: {  	[sflag:s19] =	ssyncset.done $0x0  }
0xb9: {  	[sflag:s19] =	ssyncadd.s32 $0xFFFFFF80  }
0xba: {  	[tilespmem:s11], [sflag:$0x1] =	stream.indirect.gather [hbm4b:s1+s20], $0x80, s5, s20, $0xb8;
	[tilespmem:$0x10E00] =	vst v63  }
0xbb: {  	_ =	swait.ge [sflag:s22], $0x80  }
0xbc: {  	[sflag:s22] =	ssyncset.done $0x0  }
0xbd: {  	s29 =	simm.s32 $0x8C00;
	[sflag:s22] =	ssyncadd.s32 $0xFFFFFF80  }
0xbe: {  	[tilespmem:s29], [sflag:$0x3] =	stream.indirect.gather [hbm4b:s1+s20], $0x80, s18, s20, $0xb8;
	[tilespmem:$0x10E00] =	vst v63  }
0xbf: {  	_ =	swait.ge [sflag:s2], $0x4000  }
0xc0: {  	[sflag:s2] =	ssyncset.done $0x0  }
0xc1: {  	[sflag:s2] =	ssyncadd.s32 $0xFFFFC000  }
0xc2: {  	_ =	swait.ge [sflag:s16], $0x4000  }
0xc3: {  	s31 =	simm.s32 $0xCC80;
	[sflag:s16] =	ssyncset.done $0x0  }
0xc4: {  	s8 =	simm.s32 $0x0;
	s10 =	simm.s32 $0x4C80;
	[sflag:s16] =	ssyncadd.s32 $0xFFFFC000  }
.LBB2_6:
0xc5: {  	v39 =	vld [tilespmem:s10+$0x0]  }
0xc6: {  	v40 =	vld [tilespmem:s31+$0x0]  }
0xc7: {  	v41 =	vld [tilespmem:s10+$0x10]  }
0xc8: {  	v50 =	vld [tilespmem:s31+$0x10]  }
0xc9: {  	v54 =	vld [tilespmem:s10+$0x20]  }
0xca: {  	v55 =	vld [tilespmem:s31+$0x20]  }
0xcb: {  	v13 =	vld [tilespmem:s10+$0x30]  }
0xcc: {  	v14 =	vld [tilespmem:s31+$0x30]  }
0xcd: {  	v15 =	vld [tilespmem:s10+$0x40]  }
0xce: {  	v17 =	vld [tilespmem:s31+$0x40]  }
0xcf: {  	v16 =	vld [tilespmem:s10+$0x50]  }
0xd0: {  	v18 =	vld [tilespmem:s31+$0x50]  }
0xd1: {  	v20 =	vld [tilespmem:s10+$0x60]  }
0xd2: {  	v22 =	vld [tilespmem:s31+$0x60]  }
0xd3: {  	v19 =	vld [tilespmem:s10+$0x70]  }
0xd4: {  	v21 =	vld [tilespmem:s31+$0x70]  }
0xd5: {  	v24 =	vld [tilespmem:s10+$0xFFFFFF80]  }
0xd6: {  	v28 =	vld [tilespmem:s31+$0xFFFFFF80]  }
0xd7: {  	v23 =	vld [tilespmem:s10+$0xFFFFFF90]  }
0xd8: {  	s6 =	sshll.u32 s8, $0x4;
	v25 =	vld [tilespmem:s31+$0xFFFFFF90]  }
0xd9: {  	v12 =	vld [tilespmem:s6+$0x280]  }
0xda: {  	v26 =	vld [tilespmem:s10+$0xFFFFFFA0]  }
0xdb: {  	v29 =	vld [tilespmem:s31+$0xFFFFFFA0]  }
0xdc: {  	v27 =	vld [tilespmem:s10+$0xFFFFFFB0]  }
0xdd: {  	v9 =	vmov s5;
	v30 =	vld [tilespmem:s31+$0xFFFFFFB0]  }
0xde: {  	v31 =	vld [tilespmem:s10+$0xFFFFFFC0];
	v10 =	vperm.xlane v12, v9  }
0xdf: {  	v32 =	vld [tilespmem:s31+$0xFFFFFFC0]  }
0xe0: {  	v33 =	vld [tilespmem:s10+$0xFFFFFFD0];
	v45 =	vshll.u32 v10, $0x7  }
0xe1: {  	v34 =	vld [tilespmem:s31+$0xFFFFFFD0];
	v10 =	vor.u32 v0, v45  }
0xe2: {  	v35 =	vld [tilespmem:s10+$0xFFFFFFE0];
	v43 =	vor.u32 v1, v45  }
0xe3: {  	v37 =	vld [tilespmem:s31+$0xFFFFFFE0];
	v44 =	vor.u32 v2, v45  }
0xe4: {  	v36 =	vld [tilespmem:s10+$0xFFFFFFF0];
	s7 =	simm.s32 $0x1;
	v46 =	vor.u32 v3, v45  }
0xe5: {  	v38 =	vld [tilespmem:s31+$0xFFFFFFF0];
	v11 =	vmov s7;
	v47 =	vor.u32 v4, v45  }
0xe6: {  	v48 =	vperm.xlane v12, v11;
	v56 =	vor.u32 v5, v45;
	v42 =	vld.idx.msk [tilespmem:v10+s17+$0x0], $0xffff  }
0xe7: {  	v53 =	vor.u32 v6, v45;
	v43 =	vld.idx.msk [tilespmem:v43+s17+$0x0], $0xffff  }
0xe8: {  	v48 =	vshll.u32 v48, $0x7;
	v52 =	vor.u32 v7, v45;
	v44 =	vld.idx.msk [tilespmem:v44+s17+$0x0], $0xffff  }
0xe9: {  	v51 =	vor.u32 v0, v48;
	v45 =	vld.idx.msk [tilespmem:v46+s17+$0x0], $0xffff  }
0xea: {  	s9 =	simm.s32 $0x2;
	v39 =	vmul.f32 v40, v39;
	v40 =	vmul.f32 v50, v41;
	v49 =	vor.u32 v1, v48;
	v46 =	vld.idx.msk [tilespmem:v47+s17+$0x0], $0xffff  }
0xeb: {  	s29 =	sor.u32 $0x80, s6;
	s7 =	smov.u32 s10;
	s6 =	smov.u32 s31;
	v41 =	vmul.f32 v55, v54;
	v50 =	vor.u32 v2, v48;
	v10 =	vimm.f32 $0.0e+00;
	v47 =	vld.idx.msk [tilespmem:v56+s17+$0x0], $0xffff  }
.LBB2_7:
0xec: {  	p0 =	slt.u32 s9, $0xE;
	v53 =	vld.idx.msk [tilespmem:v53+s17+$0x0], $0xffff;
	v13 =	vmul.f32 v14, v13;
	v14 =	vor.u32 v3, v48;
	v15 =	vmul.f32 v17, v15  }
0xed: {  	v16 =	vmul.f32 v18, v16;
	v18 =	vmul.f32 v22, v20;
	v17 =	vld.idx.msk [tilespmem:v52+s17+$0x0], $0xffff;
	v52 =	vor.u32 v4, v48  }
0xee: {  	v20 =	vmul.f32 v28, v24;
	v24 =	vor.u32 v5, v48;
	v19 =	vmul.f32 v21, v19;
	v22 =	vld.idx.msk [tilespmem:v51+s17+$0x0], $0xffff  }
0xef: {  	v21 =	vmul.f32 v25, v23;
	v23 =	vmul.f32 v29, v26;
	v26 =	vor.u32 v6, v48;
	v25 =	vld.idx.msk [tilespmem:v49+s17+$0x0], $0xffff  }
0xf0: {  	v27 =	vmul.f32 v30, v27;
	v28 =	vmul.f32 v32, v31;
	v30 =	vor.u32 v7, v48;
	v29 =	vld.idx.msk [tilespmem:v50+s17+$0x0], $0xffff  }
0xf1: {  	v31 =	vmul.f32 v34, v33;
	v32 =	vmul.f32 v37, v35;
	v14 =	vld.idx.msk [tilespmem:v14+s17+$0x0], $0xffff  }
0xf2: {  	v33 =	vmul.f32 v38, v36;
	v20 =	vmul.f32 v42, v20;
	v34 =	vld.idx.msk [tilespmem:v52+s17+$0x0], $0xffff  }
0xf3: {  	v21 =	vmul.f32 v43, v21;
	v23 =	vmul.f32 v44, v23;
	v24 =	vld.idx.msk [tilespmem:v24+s17+$0x0], $0xffff  }
0xf4: {  	v27 =	vmul.f32 v45, v27;
	v28 =	vmul.f32 v46, v28;
	v26 =	vld.idx.msk [tilespmem:v26+s17+$0x0], $0xffff  }
0xf5: {  	s7 =	sadd.s32 $0x100, s7;
	v31 =	vmul.f32 v47, v31;
	v32 =	vmul.f32 v53, v32;
	v30 =	vld.idx.msk [tilespmem:v30+s17+$0x0], $0xffff  }
0xf6: {  	s6 =	sadd.s32 $0x100, s6;
	v17 =	vmul.f32 v17, v33;
	v22 =	vmul.f32 v22, v39;
	v47 =	vld [tilespmem:s7+$0x0]  }
0xf7: {  	v25 =	vmul.f32 v25, v40;
	v29 =	vmul.f32 v29, v41;
	v39 =	vld [tilespmem:s6+$0x0]  }
0xf8: {  	v13 =	vmul.f32 v14, v13;
	v15 =	vmul.f32 v34, v15;
	v40 =	vld [tilespmem:s7+$0x10]  }
0xf9: {  	v14 =	vadd.f32 v21, v20;
	v20 =	vadd.f32 v27, v23;
	v16 =	vmul.f32 v24, v16;
	v41 =	vld [tilespmem:s6+$0x10]  }
0xfa: {  	v17 =	vadd.f32 v17, v32;
	v21 =	vadd.f32 v31, v28;
	v18 =	vmul.f32 v26, v18;
	v50 =	vld [tilespmem:s7+$0x20]  }
0xfb: {  	v22 =	vadd.f32 v25, v22;
	v23 =	vadd.f32 v13, v29;
	v19 =	vmul.f32 v30, v19;
	v54 =	vld [tilespmem:s6+$0x20]  }
0xfc: {  	v20 =	vadd.f32 v20, v14;
	v17 =	vadd.f32 v17, v21;
	v13 =	vld [tilespmem:s7+$0x30]  }
0xfd: {  	v16 =	vadd.f32 v16, v15;
	v18 =	vadd.f32 v19, v18;
	v14 =	vld [tilespmem:s6+$0x30]  }
0xfe: {  	v19 =	vadd.f32 v17, v20;
	v15 =	vld [tilespmem:s7+$0x40]  }
0xff: {  	v20 =	vadd.f32 v23, v22;
	v21 =	vadd.f32 v18, v16;
	v17 =	vld [tilespmem:s6+$0x40]  }
0x100: {  	v16 =	vld [tilespmem:s7+$0x50];
	(xrf2) =	vadd.scan.msk.f32 $0xffff, v19  }
0x101: {  	v19 =	vadd.f32 v21, v20;
	v18 =	vld [tilespmem:s6+$0x50]  }
0x102: {  	v20 =	vld [tilespmem:s7+$0x60]  }
0x103: {  	v22 =	vld [tilespmem:s6+$0x60];
	(xrf2) =	vadd.scan.msk.f32 $0xffff, v19  }
0x104: {  	v19 =	vld [tilespmem:s7+$0x70]  }
0x105: {  	v21 =	vld [tilespmem:s6+$0x70]  }
0x106: {  	v24 =	vld [tilespmem:s7+$0xFFFFFF80]  }
0x107: {  	v28 =	vld [tilespmem:s6+$0xFFFFFF80]  }
0x108: {  	v23 =	vld [tilespmem:s7+$0xFFFFFF90]  }
0x109: {  	v25 =	vld [tilespmem:s6+$0xFFFFFF90]  }
0x10a: {  	v26 =	vld [tilespmem:s7+$0xFFFFFFA0];
	v31, _, _ =	vpop (xrf2)  }
0x10b: {  	v29 =	vld [tilespmem:s6+$0xFFFFFFA0]  }
0x10c: {  	v27 =	vld [tilespmem:s7+$0xFFFFFFB0]  }
0x10d: {  	v32 =	vmov s9;
	v33 =	vperm.xlane v31, v8;
	v30 =	vld [tilespmem:s6+$0xFFFFFFB0];
	v34, _, _ =	vpop (xrf2)  }
0x10e: {  	vm0 =	veq.s32 v9, v0;
	v35 =	vperm.xlane v12, v32;
	v9 =	vmovc v32;
	v31 =	vld [tilespmem:s7+$0xFFFFFFC0];
	v34 =	vperm.xlane v34, v8  }
0x10f: {  	v10 =	vsel vm0, v33, v10;
	vm0 =	veq.s32 v11, v0;
	v32 =	vld [tilespmem:s6+$0xFFFFFFC0]  }
0x110: {  	v45 =	vshll.u32 v35, $0x7;
	v33 =	vld [tilespmem:s7+$0xFFFFFFD0];
	v10 =	vsel vm0, v34, v10  }
0x111: {  	v42 =	vor.u32 v0, v45;
	v34 =	vld [tilespmem:s6+$0xFFFFFFD0]  }
0x112: {  	v43 =	vor.u32 v1, v45;
	v35 =	vld [tilespmem:s7+$0xFFFFFFE0]  }
0x113: {  	v44 =	vor.u32 v2, v45;
	v37 =	vld [tilespmem:s6+$0xFFFFFFE0]  }
0x114: {  	s11 =	sadd.s32 $0x1, s9;
	v46 =	vor.u32 v3, v45;
	v36 =	vld [tilespmem:s7+$0xFFFFFFF0]  }
0x115: {  	v49 =	vor.u32 v4, v45;
	v11 =	vmov s11;
	v38 =	vld [tilespmem:s6+$0xFFFFFFF0]  }
0x116: {  	v55 =	vor.u32 v5, v45;
	v48 =	vperm.xlane v12, v11;
	v42 =	vld.idx.msk [tilespmem:v42+s17+$0x0], $0xffff  }
.Ltmp2:
0x117: {  	v53 =	vor.u32 v6, v45;
	v43 =	vld.idx.msk [tilespmem:v43+s17+$0x0], $0xffff;
	(pc) =	sbr.rel @p0 .LBB2_7-.Ltmp2, $4  }
0x118: {  	v52 =	vor.u32 v7, v45;
	v48 =	vshll.u32 v48, $0x7;
	v44 =	vld.idx.msk [tilespmem:v44+s17+$0x0], $0xffff  }
0x119: {  	v51 =	vor.u32 v0, v48;
	v45 =	vld.idx.msk [tilespmem:v46+s17+$0x0], $0xffff  }
0x11a: {  	v39 =	vmul.f32 v39, v47;
	v46 =	vld.idx.msk [tilespmem:v49+s17+$0x0], $0xffff;
	v49 =	vor.u32 v1, v48  }
0x11b: {  	s9 =	sadd.s32 $0x2, s9;
	v40 =	vmul.f32 v41, v40;
	v41 =	vmul.f32 v54, v50;
	v50 =	vor.u32 v2, v48;
	v47 =	vld.idx.msk [tilespmem:v55+s17+$0x0], $0xffff  }
0x11c: {  	_ =	sdelay $0x3  }
0x11d: {  	v12 =	vld.idx.msk [tilespmem:v53+s17+$0x0], $0xffff;
	v13 =	vmul.f32 v14, v13;
	v14 =	vor.u32 v3, v48;
	v15 =	vmul.f32 v17, v15  }
0x11e: {  	v17 =	vld.idx.msk [tilespmem:v52+s17+$0x0], $0xffff;
	v52 =	vor.u32 v4, v48;
	v16 =	vmul.f32 v18, v16;
	v18 =	vmul.f32 v22, v20  }
0x11f: {  	v56 =	vmul.f32 v28, v24;
	v57 =	vld.idx.msk [tilespmem:v51+s17+$0x0], $0xffff;
	v58 =	vor.u32 v5, v48;
	v19 =	vmul.f32 v21, v19  }
0x120: {  	v59 =	vmul.f32 v25, v23;
	v60 =	vmul.f32 v29, v26;
	v61 =	vld.idx.msk [tilespmem:v49+s17+$0x0], $0xffff;
	v62 =	vor.u32 v6, v48  }
0x121: {  	v27 =	vmul.f32 v30, v27;
	v63 =	vmul.f32 v32, v31;
	v49 =	vld.idx.msk [tilespmem:v50+s17+$0x0], $0xffff;
	v50 =	vor.u32 v7, v48  }
0x122: {  	v51 =	vmul.f32 v34, v33;
	v53 =	vmul.f32 v37, v35;
	v14 =	vld.idx.msk [tilespmem:v14+s17+$0x0], $0xffff  }
0x123: {  	v54 =	vmul.f32 v38, v36;
	v20 =	vmul.f32 v42, v56;
	v55 =	vld.idx.msk [tilespmem:v52+s17+$0x0], $0xffff  }
0x124: {  	v21 =	vmul.f32 v43, v59;
	v23 =	vmul.f32 v44, v60;
	v24 =	vld.idx.msk [tilespmem:v58+s17+$0x0], $0xffff  }
0x125: {  	v27 =	vmul.f32 v45, v27;
	v28 =	vmul.f32 v46, v63;
	v26 =	vld.idx.msk [tilespmem:v62+s17+$0x0], $0xffff  }
0x126: {  	v31 =	vmul.f32 v47, v51;
	v12 =	vmul.f32 v12, v53;
	v30 =	vld.idx.msk [tilespmem:v50+s17+$0x0], $0xffff  }
0x127: {  	v17 =	vmul.f32 v17, v54;
	v22 =	vmul.f32 v57, v39  }
0x128: {  	v25 =	vmul.f32 v61, v40;
	v29 =	vmul.f32 v49, v41  }
0x129: {  	v57 =	vadd.f32 v21, v20;
	v58 =	vadd.f32 v27, v23;
	v13 =	vmul.f32 v14, v13  }
0x12a: {  	v59 =	vadd.f32 v31, v28;
	v56 =	vmul.f32 v55, v15;
	v16 =	vmul.f32 v24, v16  }
0x12b: {  	v12 =	vadd.f32 v17, v12;
	v60 =	vmul.f32 v26, v18;
	v61 =	vmul.f32 v30, v19  }
0x12c: {  	v62 =	vadd.f32 v25, v22;
	v13 =	vadd.f32 v13, v29  }
0x12d: {  	v14 =	vadd.f32 v16, v56;
	v63 =	vadd.f32 v61, v60  }
0x12e: {  	v12 =	vadd.f32 v12, v59;
	v15 =	vadd.f32 v58, v57  }
0x12f: {  	v13 =	vadd.f32 v13, v62;
	v14 =	vadd.f32 v63, v14  }
0x130: {  	v12 =	vadd.f32 v12, v15  }
0x131: {  	v13 =	vadd.f32 v14, v13  }
0x132: {  	(xrf2) =	vadd.scan.msk.f32 $0xffff, v12  }
0x133: {  	(xrf2) =	vadd.scan.msk.f32 $0xffff, v13;
	_ =	sdelay $0x7  }
0x134: {  	s8 =	sadd.s32 $0x1, s8  }
0x135: {  	p0 =	sne.s32 s8, $0x8;
	v12, _, _ =	vpop (xrf2)  }
.Ltmp3:
0x136: {  	v12 =	vperm.xlane v12, v8;
	v13, _, _ =	vpop (xrf2);
	(pc) =	sbr.rel @p0 .LBB2_6-.Ltmp3, $4  }
0x137: {  	vm0 =	veq.s32 v9, v0;
	v9 =	vperm.xlane v13, v8  }
0x138: {  	vm15 =	veq.s32 v11, v0;
	v10 =	vsel vm0, v12, v10  }
0x139: {  	v9 =	vsel vm15, v9, v10  }
0x13a: {  	s31 =	sadd.s32 $0x800, s31;
	s10 =	sadd.s32 $0x800, s10;
	[tilespmem:s29+$0x10C00] =	vst v9  }
0x13b: {  	s5 =	simm.s32 $0x0  }
0x13c: {  	[tilespmem:s20], [sflag:$0x6] =	stream.linear.gather [hbm4b:s12+s5], $0x80, $0x38;
	[tilespmem:$0x10E00] =	vst v63  }
0x13d: {  	_ = 	snop  }
0x13e: {  	[tilespmem:s26], [sflag:$0x8] =	stream.linear.gather [hbm4b:s13+s5], $0x80, $0x38;
	[tilespmem:$0x10E00] =	vst v63  }
0x13f: {  	_ =	swait.ge [sflag:s28], $0x80  }
0x140: {  	[sflag:s28] =	ssyncset.done $0x0  }
0x141: {  	s6 =	simm.s32 $0x4C00;
	[sflag:s28] =	ssyncadd.s32 $0xFFFFFF80  }
0x142: {  	[tilespmem:s6], [sflag:$0x2] =	stream.indirect.gather [hbm4b:s1+s20], $0x80, s20, s20, $0xb8;
	[tilespmem:$0x10E00] =	vst v63  }
0x143: {  	_ =	swait.ge [sflag:s30], $0x80  }
0x144: {  	[sflag:s30] =	ssyncset.done $0x0  }
0x145: {  	s31 =	simm.s32 $0xCC00;
	[sflag:s30] =	ssyncadd.s32 $0xFFFFFF80  }
0x146: {  	[tilespmem:s31], [sflag:$0x4] =	stream.indirect.gather [hbm4b:s1+s20], $0x80, s26, s20, $0xb8;
	[tilespmem:$0x10E00] =	vst v63  }
0x147: {  	_ =	swait.ge [sflag:s0], $0x4000  }
0x148: {  	[sflag:s0] =	ssyncset.done $0x0  }
0x149: {  	[sflag:s0] =	ssyncadd.s32 $0xFFFFC000  }
0x14a: {  	_ =	swait.ge [sflag:s3], $0x4000  }
0x14b: {  	s7 =	simm.s32 $0xC80;
	[sflag:s3] =	ssyncset.done $0x0  }
0x14c: {  	s8 =	simm.s32 $0x0;
	s6 =	simm.s32 $0x8C80;
	[sflag:s3] =	ssyncadd.s32 $0xFFFFC000  }
.LBB2_10:
0x14d: {  	v39 =	vld [tilespmem:s7+$0x0]  }
0x14e: {  	v40 =	vld [tilespmem:s6+$0x0]  }
0x14f: {  	v41 =	vld [tilespmem:s7+$0x10]  }
0x150: {  	v50 =	vld [tilespmem:s6+$0x10]  }
0x151: {  	v54 =	vld [tilespmem:s7+$0x20]  }
0x152: {  	v55 =	vld [tilespmem:s6+$0x20]  }
0x153: {  	v13 =	vld [tilespmem:s7+$0x30]  }
0x154: {  	v14 =	vld [tilespmem:s6+$0x30]  }
0x155: {  	v15 =	vld [tilespmem:s7+$0x40]  }
0x156: {  	v17 =	vld [tilespmem:s6+$0x40]  }
0x157: {  	v16 =	vld [tilespmem:s7+$0x50]  }
0x158: {  	v18 =	vld [tilespmem:s6+$0x50]  }
0x159: {  	v20 =	vld [tilespmem:s7+$0x60]  }
0x15a: {  	v22 =	vld [tilespmem:s6+$0x60]  }
0x15b: {  	v19 =	vld [tilespmem:s7+$0x70]  }
0x15c: {  	v21 =	vld [tilespmem:s6+$0x70]  }
0x15d: {  	v24 =	vld [tilespmem:s7+$0xFFFFFF80]  }
0x15e: {  	v28 =	vld [tilespmem:s6+$0xFFFFFF80]  }
0x15f: {  	v23 =	vld [tilespmem:s7+$0xFFFFFF90]  }
0x160: {  	s9 =	sshll.u32 s8, $0x4;
	v25 =	vld [tilespmem:s6+$0xFFFFFF90]  }
0x161: {  	v12 =	vld [tilespmem:s9+$0x300]  }
0x162: {  	v26 =	vld [tilespmem:s7+$0xFFFFFFA0]  }
0x163: {  	v29 =	vld [tilespmem:s6+$0xFFFFFFA0]  }
0x164: {  	v27 =	vld [tilespmem:s7+$0xFFFFFFB0]  }
0x165: {  	v9 =	vmov s5;
	v30 =	vld [tilespmem:s6+$0xFFFFFFB0]  }
0x166: {  	v31 =	vld [tilespmem:s7+$0xFFFFFFC0];
	v10 =	vperm.xlane v12, v9  }
0x167: {  	v32 =	vld [tilespmem:s6+$0xFFFFFFC0]  }
0x168: {  	v33 =	vld [tilespmem:s7+$0xFFFFFFD0];
	v45 =	vshll.u32 v10, $0x7  }
0x169: {  	v34 =	vld [tilespmem:s6+$0xFFFFFFD0];
	v10 =	vor.u32 v0, v45  }
0x16a: {  	v35 =	vld [tilespmem:s7+$0xFFFFFFE0];
	v43 =	vor.u32 v1, v45  }
0x16b: {  	v37 =	vld [tilespmem:s6+$0xFFFFFFE0];
	v44 =	vor.u32 v2, v45  }
0x16c: {  	v36 =	vld [tilespmem:s7+$0xFFFFFFF0];
	s10 =	simm.s32 $0x1;
	v46 =	vor.u32 v3, v45  }
0x16d: {  	v38 =	vld [tilespmem:s6+$0xFFFFFFF0];
	v11 =	vmov s10;
	v47 =	vor.u32 v4, v45  }
0x16e: {  	v48 =	vperm.xlane v12, v11;
	v56 =	vor.u32 v5, v45;
	v42 =	vld.idx.msk [tilespmem:v10+s17+$0x0], $0xffff  }
0x16f: {  	v53 =	vor.u32 v6, v45;
	v43 =	vld.idx.msk [tilespmem:v43+s17+$0x0], $0xffff  }
0x170: {  	v48 =	vshll.u32 v48, $0x7;
	v52 =	vor.u32 v7, v45;
	v44 =	vld.idx.msk [tilespmem:v44+s17+$0x0], $0xffff  }
0x171: {  	v51 =	vor.u32 v0, v48;
	v45 =	vld.idx.msk [tilespmem:v46+s17+$0x0], $0xffff  }
0x172: {  	s31 =	smov.u32 s6;
	v39 =	vmul.f32 v40, v39;
	v40 =	vmul.f32 v50, v41;
	v49 =	vor.u32 v1, v48;
	v46 =	vld.idx.msk [tilespmem:v47+s17+$0x0], $0xffff  }
0x173: {  	s29 =	sor.u32 $0x100, s9;
	s9 =	simm.s32 $0x2;
	s10 =	smov.u32 s7;
	v41 =	vmul.f32 v55, v54;
	v50 =	vor.u32 v2, v48;
	v10 =	vimm.f32 $0.0e+00;
	v47 =	vld.idx.msk [tilespmem:v56+s17+$0x0], $0xffff  }
.LBB2_11:
0x174: {  	p0 =	slt.u32 s9, $0xE;
	v53 =	vld.idx.msk [tilespmem:v53+s17+$0x0], $0xffff;
	v13 =	vmul.f32 v14, v13;
	v14 =	vor.u32 v3, v48;
	v15 =	vmul.f32 v17, v15  }
0x175: {  	v16 =	vmul.f32 v18, v16;
	v18 =	vmul.f32 v22, v20;
	v17 =	vld.idx.msk [tilespmem:v52+s17+$0x0], $0xffff;
	v52 =	vor.u32 v4, v48  }
0x176: {  	v20 =	vmul.f32 v28, v24;
	v24 =	vor.u32 v5, v48;
	v19 =	vmul.f32 v21, v19;
	v22 =	vld.idx.msk [tilespmem:v51+s17+$0x0], $0xffff  }
0x177: {  	v21 =	vmul.f32 v25, v23;
	v23 =	vmul.f32 v29, v26;
	v26 =	vor.u32 v6, v48;
	v25 =	vld.idx.msk [tilespmem:v49+s17+$0x0], $0xffff  }
0x178: {  	v27 =	vmul.f32 v30, v27;
	v28 =	vmul.f32 v32, v31;
	v30 =	vor.u32 v7, v48;
	v29 =	vld.idx.msk [tilespmem:v50+s17+$0x0], $0xffff  }
0x179: {  	v31 =	vmul.f32 v34, v33;
	v32 =	vmul.f32 v37, v35;
	v14 =	vld.idx.msk [tilespmem:v14+s17+$0x0], $0xffff  }
0x17a: {  	v33 =	vmul.f32 v38, v36;
	v20 =	vmul.f32 v42, v20;
	v34 =	vld.idx.msk [tilespmem:v52+s17+$0x0], $0xffff  }
0x17b: {  	v21 =	vmul.f32 v43, v21;
	v23 =	vmul.f32 v44, v23;
	v24 =	vld.idx.msk [tilespmem:v24+s17+$0x0], $0xffff  }
0x17c: {  	v27 =	vmul.f32 v45, v27;
	v28 =	vmul.f32 v46, v28;
	v26 =	vld.idx.msk [tilespmem:v26+s17+$0x0], $0xffff  }
0x17d: {  	s10 =	sadd.s32 $0x100, s10;
	v31 =	vmul.f32 v47, v31;
	v32 =	vmul.f32 v53, v32;
	v30 =	vld.idx.msk [tilespmem:v30+s17+$0x0], $0xffff  }
0x17e: {  	s31 =	sadd.s32 $0x100, s31;
	v17 =	vmul.f32 v17, v33;
	v22 =	vmul.f32 v22, v39;
	v47 =	vld [tilespmem:s10+$0x0]  }
0x17f: {  	v25 =	vmul.f32 v25, v40;
	v29 =	vmul.f32 v29, v41;
	v39 =	vld [tilespmem:s31+$0x0]  }
0x180: {  	v13 =	vmul.f32 v14, v13;
	v15 =	vmul.f32 v34, v15;
	v40 =	vld [tilespmem:s10+$0x10]  }
0x181: {  	v14 =	vadd.f32 v21, v20;
	v20 =	vadd.f32 v27, v23;
	v16 =	vmul.f32 v24, v16;
	v41 =	vld [tilespmem:s31+$0x10]  }
0x182: {  	v17 =	vadd.f32 v17, v32;
	v21 =	vadd.f32 v31, v28;
	v18 =	vmul.f32 v26, v18;
	v50 =	vld [tilespmem:s10+$0x20]  }
0x183: {  	v22 =	vadd.f32 v25, v22;
	v23 =	vadd.f32 v13, v29;
	v19 =	vmul.f32 v30, v19;
	v54 =	vld [tilespmem:s31+$0x20]  }
0x184: {  	v20 =	vadd.f32 v20, v14;
	v17 =	vadd.f32 v17, v21;
	v13 =	vld [tilespmem:s10+$0x30]  }
0x185: {  	v16 =	vadd.f32 v16, v15;
	v18 =	vadd.f32 v19, v18;
	v14 =	vld [tilespmem:s31+$0x30]  }
0x186: {  	v19 =	vadd.f32 v17, v20;
	v15 =	vld [tilespmem:s10+$0x40]  }
0x187: {  	v20 =	vadd.f32 v23, v22;
	v21 =	vadd.f32 v18, v16;
	v17 =	vld [tilespmem:s31+$0x40]  }
0x188: {  	v16 =	vld [tilespmem:s10+$0x50];
	(xrf2) =	vadd.scan.msk.f32 $0xffff, v19  }
0x189: {  	v19 =	vadd.f32 v21, v20;
	v18 =	vld [tilespmem:s31+$0x50]  }
0x18a: {  	v20 =	vld [tilespmem:s10+$0x60]  }
0x18b: {  	v22 =	vld [tilespmem:s31+$0x60];
	(xrf2) =	vadd.scan.msk.f32 $0xffff, v19  }
0x18c: {  	v19 =	vld [tilespmem:s10+$0x70]  }
0x18d: {  	v21 =	vld [tilespmem:s31+$0x70]  }
0x18e: {  	v24 =	vld [tilespmem:s10+$0xFFFFFF80]  }
0x18f: {  	v28 =	vld [tilespmem:s31+$0xFFFFFF80]  }
0x190: {  	v23 =	vld [tilespmem:s10+$0xFFFFFF90]  }
0x191: {  	v25 =	vld [tilespmem:s31+$0xFFFFFF90]  }
0x192: {  	v26 =	vld [tilespmem:s10+$0xFFFFFFA0];
	v31, _, _ =	vpop (xrf2)  }
0x193: {  	v29 =	vld [tilespmem:s31+$0xFFFFFFA0]  }
0x194: {  	v27 =	vld [tilespmem:s10+$0xFFFFFFB0]  }
0x195: {  	v32 =	vmov s9;
	v33 =	vperm.xlane v31, v8;
	v30 =	vld [tilespmem:s31+$0xFFFFFFB0];
	v34, _, _ =	vpop (xrf2)  }
0x196: {  	vm0 =	veq.s32 v9, v0;
	v35 =	vperm.xlane v12, v32;
	v9 =	vmovc v32;
	v31 =	vld [tilespmem:s10+$0xFFFFFFC0];
	v34 =	vperm.xlane v34, v8  }
0x197: {  	v10 =	vsel vm0, v33, v10;
	vm0 =	veq.s32 v11, v0;
	v32 =	vld [tilespmem:s31+$0xFFFFFFC0]  }
0x198: {  	v45 =	vshll.u32 v35, $0x7;
	v33 =	vld [tilespmem:s10+$0xFFFFFFD0];
	v10 =	vsel vm0, v34, v10  }
0x199: {  	v42 =	vor.u32 v0, v45;
	v34 =	vld [tilespmem:s31+$0xFFFFFFD0]  }
0x19a: {  	v43 =	vor.u32 v1, v45;
	v35 =	vld [tilespmem:s10+$0xFFFFFFE0]  }
0x19b: {  	v44 =	vor.u32 v2, v45;
	v37 =	vld [tilespmem:s31+$0xFFFFFFE0]  }
0x19c: {  	s11 =	sadd.s32 $0x1, s9;
	v46 =	vor.u32 v3, v45;
	v36 =	vld [tilespmem:s10+$0xFFFFFFF0]  }
0x19d: {  	v49 =	vor.u32 v4, v45;
	v11 =	vmov s11;
	v38 =	vld [tilespmem:s31+$0xFFFFFFF0]  }
0x19e: {  	v55 =	vor.u32 v5, v45;
	v48 =	vperm.xlane v12, v11;
	v42 =	vld.idx.msk [tilespmem:v42+s17+$0x0], $0xffff  }
.Ltmp4:
0x19f: {  	v53 =	vor.u32 v6, v45;
	v43 =	vld.idx.msk [tilespmem:v43+s17+$0x0], $0xffff;
	(pc) =	sbr.rel @p0 .LBB2_11-.Ltmp4, $4  }
0x1a0: {  	v52 =	vor.u32 v7, v45;
	v48 =	vshll.u32 v48, $0x7;
	v44 =	vld.idx.msk [tilespmem:v44+s17+$0x0], $0xffff  }
0x1a1: {  	v51 =	vor.u32 v0, v48;
	v45 =	vld.idx.msk [tilespmem:v46+s17+$0x0], $0xffff  }
0x1a2: {  	v39 =	vmul.f32 v39, v47;
	v46 =	vld.idx.msk [tilespmem:v49+s17+$0x0], $0xffff;
	v49 =	vor.u32 v1, v48  }
0x1a3: {  	s9 =	sadd.s32 $0x2, s9;
	v40 =	vmul.f32 v41, v40;
	v41 =	vmul.f32 v54, v50;
	v50 =	vor.u32 v2, v48;
	v47 =	vld.idx.msk [tilespmem:v55+s17+$0x0], $0xffff  }
0x1a4: {  	_ =	sdelay $0x3  }
0x1a5: {  	v12 =	vld.idx.msk [tilespmem:v53+s17+$0x0], $0xffff;
	v13 =	vmul.f32 v14, v13;
	v14 =	vor.u32 v3, v48;
	v15 =	vmul.f32 v17, v15  }
0x1a6: {  	v17 =	vld.idx.msk [tilespmem:v52+s17+$0x0], $0xffff;
	v52 =	vor.u32 v4, v48;
	v16 =	vmul.f32 v18, v16;
	v18 =	vmul.f32 v22, v20  }
0x1a7: {  	v56 =	vmul.f32 v28, v24;
	v57 =	vld.idx.msk [tilespmem:v51+s17+$0x0], $0xffff;
	v58 =	vor.u32 v5, v48;
	v19 =	vmul.f32 v21, v19  }
0x1a8: {  	v59 =	vmul.f32 v25, v23;
	v60 =	vmul.f32 v29, v26;
	v61 =	vld.idx.msk [tilespmem:v49+s17+$0x0], $0xffff;
	v62 =	vor.u32 v6, v48  }
0x1a9: {  	v27 =	vmul.f32 v30, v27;
	v63 =	vmul.f32 v32, v31;
	v49 =	vld.idx.msk [tilespmem:v50+s17+$0x0], $0xffff;
	v50 =	vor.u32 v7, v48  }
0x1aa: {  	v51 =	vmul.f32 v34, v33;
	v53 =	vmul.f32 v37, v35;
	v14 =	vld.idx.msk [tilespmem:v14+s17+$0x0], $0xffff  }
0x1ab: {  	v54 =	vmul.f32 v38, v36;
	v20 =	vmul.f32 v42, v56;
	v55 =	vld.idx.msk [tilespmem:v52+s17+$0x0], $0xffff  }
0x1ac: {  	v21 =	vmul.f32 v43, v59;
	v23 =	vmul.f32 v44, v60;
	v24 =	vld.idx.msk [tilespmem:v58+s17+$0x0], $0xffff  }
0x1ad: {  	v27 =	vmul.f32 v45, v27;
	v28 =	vmul.f32 v46, v63;
	v26 =	vld.idx.msk [tilespmem:v62+s17+$0x0], $0xffff  }
0x1ae: {  	v31 =	vmul.f32 v47, v51;
	v12 =	vmul.f32 v12, v53;
	v30 =	vld.idx.msk [tilespmem:v50+s17+$0x0], $0xffff  }
0x1af: {  	v17 =	vmul.f32 v17, v54;
	v22 =	vmul.f32 v57, v39  }
0x1b0: {  	v25 =	vmul.f32 v61, v40;
	v29 =	vmul.f32 v49, v41  }
0x1b1: {  	v57 =	vadd.f32 v21, v20;
	v58 =	vadd.f32 v27, v23;
	v13 =	vmul.f32 v14, v13  }
0x1b2: {  	v59 =	vadd.f32 v31, v28;
	v56 =	vmul.f32 v55, v15;
	v16 =	vmul.f32 v24, v16  }
0x1b3: {  	v12 =	vadd.f32 v17, v12;
	v60 =	vmul.f32 v26, v18;
	v61 =	vmul.f32 v30, v19  }
0x1b4: {  	v62 =	vadd.f32 v25, v22;
	v13 =	vadd.f32 v13, v29  }
0x1b5: {  	v14 =	vadd.f32 v16, v56;
	v63 =	vadd.f32 v61, v60  }
0x1b6: {  	v12 =	vadd.f32 v12, v59;
	v15 =	vadd.f32 v58, v57  }
0x1b7: {  	v13 =	vadd.f32 v13, v62;
	v14 =	vadd.f32 v63, v14  }
0x1b8: {  	v12 =	vadd.f32 v12, v15  }
0x1b9: {  	v13 =	vadd.f32 v14, v13  }
0x1ba: {  	(xrf2) =	vadd.scan.msk.f32 $0xffff, v12  }
0x1bb: {  	(xrf2) =	vadd.scan.msk.f32 $0xffff, v13;
	_ =	sdelay $0x7  }
0x1bc: {  	s8 =	sadd.s32 $0x1, s8  }
0x1bd: {  	p0 =	sne.s32 s8, $0x8;
	v12, _, _ =	vpop (xrf2)  }
.Ltmp5:
0x1be: {  	v12 =	vperm.xlane v12, v8;
	v13, _, _ =	vpop (xrf2);
	(pc) =	sbr.rel @p0 .LBB2_10-.Ltmp5, $4  }
0x1bf: {  	vm0 =	veq.s32 v9, v0;
	v9 =	vperm.xlane v13, v8  }
0x1c0: {  	vm15 =	veq.s32 v11, v0;
	v10 =	vsel vm0, v12, v10  }
0x1c1: {  	v9 =	vsel vm15, v9, v10  }
0x1c2: {  	s6 =	sadd.s32 $0x800, s6;
	s7 =	sadd.s32 $0x800, s7;
	[tilespmem:s29+$0x10C00] =	vst v9  }
0x1c3: {  	_ =	swait.ge [sflag:s2], $0x4000  }
0x1c4: {  	[sflag:s2] =	ssyncset.done $0x0  }
0x1c5: {  	[sflag:s2] =	ssyncadd.s32 $0xFFFFC000  }
0x1c6: {  	_ =	swait.ge [sflag:s16], $0x4000  }
0x1c7: {  	s5 =	simm.s32 $0x0;
	s6 =	simm.s32 $0xCC80;
	[sflag:s16] =	ssyncset.done $0x0  }
0x1c8: {  	s7 =	simm.s32 $0x4C80;
	s8 =	simm.s32 $0x0;
	[sflag:s16] =	ssyncadd.s32 $0xFFFFC000  }
.LBB2_14:
0x1c9: {  	v39 =	vld [tilespmem:s7+$0x0]  }
0x1ca: {  	v40 =	vld [tilespmem:s6+$0x0]  }
0x1cb: {  	v41 =	vld [tilespmem:s7+$0x10]  }
0x1cc: {  	v50 =	vld [tilespmem:s6+$0x10]  }
0x1cd: {  	v54 =	vld [tilespmem:s7+$0x20]  }
0x1ce: {  	v55 =	vld [tilespmem:s6+$0x20]  }
0x1cf: {  	v13 =	vld [tilespmem:s7+$0x30]  }
0x1d0: {  	v14 =	vld [tilespmem:s6+$0x30]  }
0x1d1: {  	v15 =	vld [tilespmem:s7+$0x40]  }
0x1d2: {  	v17 =	vld [tilespmem:s6+$0x40]  }
0x1d3: {  	v16 =	vld [tilespmem:s7+$0x50]  }
0x1d4: {  	v18 =	vld [tilespmem:s6+$0x50]  }
0x1d5: {  	v20 =	vld [tilespmem:s7+$0x60]  }
0x1d6: {  	v22 =	vld [tilespmem:s6+$0x60]  }
0x1d7: {  	v19 =	vld [tilespmem:s7+$0x70]  }
0x1d8: {  	v21 =	vld [tilespmem:s6+$0x70]  }
0x1d9: {  	v24 =	vld [tilespmem:s7+$0xFFFFFF80]  }
0x1da: {  	v28 =	vld [tilespmem:s6+$0xFFFFFF80]  }
0x1db: {  	v23 =	vld [tilespmem:s7+$0xFFFFFF90]  }
0x1dc: {  	s9 =	sshll.u32 s8, $0x4;
	v25 =	vld [tilespmem:s6+$0xFFFFFF90]  }
0x1dd: {  	v12 =	vld [tilespmem:s9+$0x380]  }
0x1de: {  	v26 =	vld [tilespmem:s7+$0xFFFFFFA0]  }
0x1df: {  	v29 =	vld [tilespmem:s6+$0xFFFFFFA0]  }
0x1e0: {  	v27 =	vld [tilespmem:s7+$0xFFFFFFB0]  }
0x1e1: {  	v9 =	vmov s5;
	v30 =	vld [tilespmem:s6+$0xFFFFFFB0]  }
0x1e2: {  	v31 =	vld [tilespmem:s7+$0xFFFFFFC0];
	v10 =	vperm.xlane v12, v9  }
0x1e3: {  	v32 =	vld [tilespmem:s6+$0xFFFFFFC0]  }
0x1e4: {  	v33 =	vld [tilespmem:s7+$0xFFFFFFD0];
	v45 =	vshll.u32 v10, $0x7  }
0x1e5: {  	v34 =	vld [tilespmem:s6+$0xFFFFFFD0];
	v10 =	vor.u32 v0, v45  }
0x1e6: {  	v35 =	vld [tilespmem:s7+$0xFFFFFFE0];
	v43 =	vor.u32 v1, v45  }
0x1e7: {  	v37 =	vld [tilespmem:s6+$0xFFFFFFE0];
	v44 =	vor.u32 v2, v45  }
0x1e8: {  	v36 =	vld [tilespmem:s7+$0xFFFFFFF0];
	s10 =	simm.s32 $0x1;
	v46 =	vor.u32 v3, v45  }
0x1e9: {  	v38 =	vld [tilespmem:s6+$0xFFFFFFF0];
	v11 =	vmov s10;
	v47 =	vor.u32 v4, v45  }
0x1ea: {  	v48 =	vperm.xlane v12, v11;
	v56 =	vor.u32 v5, v45;
	v42 =	vld.idx.msk [tilespmem:v10+s17+$0x0], $0xffff  }
0x1eb: {  	v53 =	vor.u32 v6, v45;
	v43 =	vld.idx.msk [tilespmem:v43+s17+$0x0], $0xffff  }
0x1ec: {  	v48 =	vshll.u32 v48, $0x7;
	v52 =	vor.u32 v7, v45;
	v44 =	vld.idx.msk [tilespmem:v44+s17+$0x0], $0xffff  }
0x1ed: {  	v51 =	vor.u32 v0, v48;
	v45 =	vld.idx.msk [tilespmem:v46+s17+$0x0], $0xffff  }
0x1ee: {  	s31 =	smov.u32 s6;
	v39 =	vmul.f32 v40, v39;
	v40 =	vmul.f32 v50, v41;
	v49 =	vor.u32 v1, v48;
	v46 =	vld.idx.msk [tilespmem:v47+s17+$0x0], $0xffff  }
0x1ef: {  	s29 =	sor.u32 $0x180, s9;
	s9 =	simm.s32 $0x2;
	s10 =	smov.u32 s7;
	v41 =	vmul.f32 v55, v54;
	v50 =	vor.u32 v2, v48;
	v10 =	vimm.f32 $0.0e+00;
	v47 =	vld.idx.msk [tilespmem:v56+s17+$0x0], $0xffff  }
.LBB2_15:
0x1f0: {  	p0 =	slt.u32 s9, $0xE;
	v53 =	vld.idx.msk [tilespmem:v53+s17+$0x0], $0xffff;
	v13 =	vmul.f32 v14, v13;
	v14 =	vor.u32 v3, v48;
	v15 =	vmul.f32 v17, v15  }
0x1f1: {  	v16 =	vmul.f32 v18, v16;
	v18 =	vmul.f32 v22, v20;
	v17 =	vld.idx.msk [tilespmem:v52+s17+$0x0], $0xffff;
	v52 =	vor.u32 v4, v48  }
0x1f2: {  	v20 =	vmul.f32 v28, v24;
	v24 =	vor.u32 v5, v48;
	v19 =	vmul.f32 v21, v19;
	v22 =	vld.idx.msk [tilespmem:v51+s17+$0x0], $0xffff  }
0x1f3: {  	v21 =	vmul.f32 v25, v23;
	v23 =	vmul.f32 v29, v26;
	v26 =	vor.u32 v6, v48;
	v25 =	vld.idx.msk [tilespmem:v49+s17+$0x0], $0xffff  }
0x1f4: {  	v27 =	vmul.f32 v30, v27;
	v28 =	vmul.f32 v32, v31;
	v30 =	vor.u32 v7, v48;
	v29 =	vld.idx.msk [tilespmem:v50+s17+$0x0], $0xffff  }
0x1f5: {  	v31 =	vmul.f32 v34, v33;
	v32 =	vmul.f32 v37, v35;
	v14 =	vld.idx.msk [tilespmem:v14+s17+$0x0], $0xffff  }
0x1f6: {  	v33 =	vmul.f32 v38, v36;
	v20 =	vmul.f32 v42, v20;
	v34 =	vld.idx.msk [tilespmem:v52+s17+$0x0], $0xffff  }
0x1f7: {  	v21 =	vmul.f32 v43, v21;
	v23 =	vmul.f32 v44, v23;
	v24 =	vld.idx.msk [tilespmem:v24+s17+$0x0], $0xffff  }
0x1f8: {  	v27 =	vmul.f32 v45, v27;
	v28 =	vmul.f32 v46, v28;
	v26 =	vld.idx.msk [tilespmem:v26+s17+$0x0], $0xffff  }
0x1f9: {  	s10 =	sadd.s32 $0x100, s10;
	v31 =	vmul.f32 v47, v31;
	v32 =	vmul.f32 v53, v32;
	v30 =	vld.idx.msk [tilespmem:v30+s17+$0x0], $0xffff  }
0x1fa: {  	s31 =	sadd.s32 $0x100, s31;
	v17 =	vmul.f32 v17, v33;
	v22 =	vmul.f32 v22, v39;
	v47 =	vld [tilespmem:s10+$0x0]  }
0x1fb: {  	v25 =	vmul.f32 v25, v40;
	v29 =	vmul.f32 v29, v41;
	v39 =	vld [tilespmem:s31+$0x0]  }
0x1fc: {  	v13 =	vmul.f32 v14, v13;
	v15 =	vmul.f32 v34, v15;
	v40 =	vld [tilespmem:s10+$0x10]  }
0x1fd: {  	v14 =	vadd.f32 v21, v20;
	v20 =	vadd.f32 v27, v23;
	v16 =	vmul.f32 v24, v16;
	v41 =	vld [tilespmem:s31+$0x10]  }
0x1fe: {  	v17 =	vadd.f32 v17, v32;
	v21 =	vadd.f32 v31, v28;
	v18 =	vmul.f32 v26, v18;
	v50 =	vld [tilespmem:s10+$0x20]  }
0x1ff: {  	v22 =	vadd.f32 v25, v22;
	v23 =	vadd.f32 v13, v29;
	v19 =	vmul.f32 v30, v19;
	v54 =	vld [tilespmem:s31+$0x20]  }
0x200: {  	v20 =	vadd.f32 v20, v14;
	v17 =	vadd.f32 v17, v21;
	v13 =	vld [tilespmem:s10+$0x30]  }
0x201: {  	v16 =	vadd.f32 v16, v15;
	v18 =	vadd.f32 v19, v18;
	v14 =	vld [tilespmem:s31+$0x30]  }
0x202: {  	v19 =	vadd.f32 v17, v20;
	v15 =	vld [tilespmem:s10+$0x40]  }
0x203: {  	v20 =	vadd.f32 v23, v22;
	v21 =	vadd.f32 v18, v16;
	v17 =	vld [tilespmem:s31+$0x40]  }
0x204: {  	v16 =	vld [tilespmem:s10+$0x50];
	(xrf2) =	vadd.scan.msk.f32 $0xffff, v19  }
0x205: {  	v19 =	vadd.f32 v21, v20;
	v18 =	vld [tilespmem:s31+$0x50]  }
0x206: {  	v20 =	vld [tilespmem:s10+$0x60]  }
0x207: {  	v22 =	vld [tilespmem:s31+$0x60];
	(xrf2) =	vadd.scan.msk.f32 $0xffff, v19  }
0x208: {  	v19 =	vld [tilespmem:s10+$0x70]  }
0x209: {  	v21 =	vld [tilespmem:s31+$0x70]  }
0x20a: {  	v24 =	vld [tilespmem:s10+$0xFFFFFF80]  }
0x20b: {  	v28 =	vld [tilespmem:s31+$0xFFFFFF80]  }
0x20c: {  	v23 =	vld [tilespmem:s10+$0xFFFFFF90]  }
0x20d: {  	v25 =	vld [tilespmem:s31+$0xFFFFFF90]  }
0x20e: {  	v26 =	vld [tilespmem:s10+$0xFFFFFFA0];
	v31, _, _ =	vpop (xrf2)  }
0x20f: {  	v29 =	vld [tilespmem:s31+$0xFFFFFFA0]  }
0x210: {  	v27 =	vld [tilespmem:s10+$0xFFFFFFB0]  }
0x211: {  	v32 =	vmov s9;
	v33 =	vperm.xlane v31, v8;
	v30 =	vld [tilespmem:s31+$0xFFFFFFB0];
	v34, _, _ =	vpop (xrf2)  }
0x212: {  	vm0 =	veq.s32 v9, v0;
	v35 =	vperm.xlane v12, v32;
	v9 =	vmovc v32;
	v31 =	vld [tilespmem:s10+$0xFFFFFFC0];
	v34 =	vperm.xlane v34, v8  }
0x213: {  	v10 =	vsel vm0, v33, v10;
	vm0 =	veq.s32 v11, v0;
	v32 =	vld [tilespmem:s31+$0xFFFFFFC0]  }
0x214: {  	v45 =	vshll.u32 v35, $0x7;
	v33 =	vld [tilespmem:s10+$0xFFFFFFD0];
	v10 =	vsel vm0, v34, v10  }
0x215: {  	v42 =	vor.u32 v0, v45;
	v34 =	vld [tilespmem:s31+$0xFFFFFFD0]  }
0x216: {  	v43 =	vor.u32 v1, v45;
	v35 =	vld [tilespmem:s10+$0xFFFFFFE0]  }
0x217: {  	v44 =	vor.u32 v2, v45;
	v37 =	vld [tilespmem:s31+$0xFFFFFFE0]  }
0x218: {  	s11 =	sadd.s32 $0x1, s9;
	v46 =	vor.u32 v3, v45;
	v36 =	vld [tilespmem:s10+$0xFFFFFFF0]  }
0x219: {  	v49 =	vor.u32 v4, v45;
	v11 =	vmov s11;
	v38 =	vld [tilespmem:s31+$0xFFFFFFF0]  }
0x21a: {  	v55 =	vor.u32 v5, v45;
	v48 =	vperm.xlane v12, v11;
	v42 =	vld.idx.msk [tilespmem:v42+s17+$0x0], $0xffff  }
.Ltmp6:
0x21b: {  	v53 =	vor.u32 v6, v45;
	v43 =	vld.idx.msk [tilespmem:v43+s17+$0x0], $0xffff;
	(pc) =	sbr.rel @p0 .LBB2_15-.Ltmp6, $4  }
0x21c: {  	v52 =	vor.u32 v7, v45;
	v48 =	vshll.u32 v48, $0x7;
	v44 =	vld.idx.msk [tilespmem:v44+s17+$0x0], $0xffff  }
0x21d: {  	v51 =	vor.u32 v0, v48;
	v45 =	vld.idx.msk [tilespmem:v46+s17+$0x0], $0xffff  }
0x21e: {  	v39 =	vmul.f32 v39, v47;
	v46 =	vld.idx.msk [tilespmem:v49+s17+$0x0], $0xffff;
	v49 =	vor.u32 v1, v48  }
0x21f: {  	s9 =	sadd.s32 $0x2, s9;
	v40 =	vmul.f32 v41, v40;
	v41 =	vmul.f32 v54, v50;
	v50 =	vor.u32 v2, v48;
	v47 =	vld.idx.msk [tilespmem:v55+s17+$0x0], $0xffff  }
0x220: {  	_ =	sdelay $0x3  }
0x221: {  	v12 =	vld.idx.msk [tilespmem:v53+s17+$0x0], $0xffff;
	v13 =	vmul.f32 v14, v13;
	v14 =	vor.u32 v3, v48;
	v15 =	vmul.f32 v17, v15  }
0x222: {  	v17 =	vld.idx.msk [tilespmem:v52+s17+$0x0], $0xffff;
	v52 =	vor.u32 v4, v48;
	v16 =	vmul.f32 v18, v16;
	v18 =	vmul.f32 v22, v20  }
0x223: {  	v56 =	vmul.f32 v28, v24;
	v57 =	vld.idx.msk [tilespmem:v51+s17+$0x0], $0xffff;
	v58 =	vor.u32 v5, v48;
	v19 =	vmul.f32 v21, v19  }
0x224: {  	v59 =	vmul.f32 v25, v23;
	v60 =	vmul.f32 v29, v26;
	v61 =	vld.idx.msk [tilespmem:v49+s17+$0x0], $0xffff;
	v62 =	vor.u32 v6, v48  }
0x225: {  	v27 =	vmul.f32 v30, v27;
	v63 =	vmul.f32 v32, v31;
	v49 =	vld.idx.msk [tilespmem:v50+s17+$0x0], $0xffff;
	v50 =	vor.u32 v7, v48  }
0x226: {  	v51 =	vmul.f32 v34, v33;
	v53 =	vmul.f32 v37, v35;
	v14 =	vld.idx.msk [tilespmem:v14+s17+$0x0], $0xffff  }
0x227: {  	v54 =	vmul.f32 v38, v36;
	v20 =	vmul.f32 v42, v56;
	v55 =	vld.idx.msk [tilespmem:v52+s17+$0x0], $0xffff  }
0x228: {  	v21 =	vmul.f32 v43, v59;
	v23 =	vmul.f32 v44, v60;
	v24 =	vld.idx.msk [tilespmem:v58+s17+$0x0], $0xffff  }
0x229: {  	v27 =	vmul.f32 v45, v27;
	v28 =	vmul.f32 v46, v63;
	v26 =	vld.idx.msk [tilespmem:v62+s17+$0x0], $0xffff  }
0x22a: {  	v31 =	vmul.f32 v47, v51;
	v12 =	vmul.f32 v12, v53;
	v30 =	vld.idx.msk [tilespmem:v50+s17+$0x0], $0xffff  }
0x22b: {  	v17 =	vmul.f32 v17, v54;
	v22 =	vmul.f32 v57, v39  }
0x22c: {  	v25 =	vmul.f32 v61, v40;
	v29 =	vmul.f32 v49, v41  }
0x22d: {  	v57 =	vadd.f32 v21, v20;
	v58 =	vadd.f32 v27, v23;
	v13 =	vmul.f32 v14, v13  }
0x22e: {  	v59 =	vadd.f32 v31, v28;
	v56 =	vmul.f32 v55, v15;
	v16 =	vmul.f32 v24, v16  }
0x22f: {  	v12 =	vadd.f32 v17, v12;
	v60 =	vmul.f32 v26, v18;
	v61 =	vmul.f32 v30, v19  }
0x230: {  	v62 =	vadd.f32 v25, v22;
	v13 =	vadd.f32 v13, v29  }
0x231: {  	v14 =	vadd.f32 v16, v56;
	v63 =	vadd.f32 v61, v60  }
0x232: {  	v12 =	vadd.f32 v12, v59;
	v15 =	vadd.f32 v58, v57  }
0x233: {  	v13 =	vadd.f32 v13, v62;
	v14 =	vadd.f32 v63, v14  }
0x234: {  	v12 =	vadd.f32 v12, v15  }
0x235: {  	v13 =	vadd.f32 v14, v13  }
0x236: {  	(xrf2) =	vadd.scan.msk.f32 $0xffff, v12  }
0x237: {  	(xrf2) =	vadd.scan.msk.f32 $0xffff, v13;
	_ =	sdelay $0x7  }
0x238: {  	s8 =	sadd.s32 $0x1, s8  }
0x239: {  	p0 =	sne.s32 s8, $0x8;
	v12, _, _ =	vpop (xrf2)  }
.Ltmp7:
0x23a: {  	v12 =	vperm.xlane v12, v8;
	v13, _, _ =	vpop (xrf2);
	(pc) =	sbr.rel @p0 .LBB2_14-.Ltmp7, $4  }
0x23b: {  	vm0 =	veq.s32 v9, v0;
	v9 =	vperm.xlane v13, v8  }
0x23c: {  	vm15 =	veq.s32 v11, v0;
	v10 =	vsel vm0, v12, v10  }
0x23d: {  	v9 =	vsel vm15, v9, v10  }
0x23e: {  	s6 =	sadd.s32 $0x800, s6;
	s7 =	sadd.s32 $0x800, s7;
	[tilespmem:s29+$0x10C00] =	vst v9  }
0x23f: {  	s23 =	sadd.s32 $0x1, s23  }
0x240: {  	p0 =	sne.s32 s23, s15  }
.Ltmp8:
0x241: {  	s5 =	simm.s32 $0x10C00;
	(pc) =	sbr.rel @p0 .LBB2_1-.Ltmp8, $4  }
0x242: {  	[hbm4b:s14+s4] =	stream.linear.scatter [tilespmem:s5], [sflag:$0xB], $0x200, $0x38;
	[tilespmem:$0x10E00] =	vst v63  }
0x243: {  	_ =	swait.ge [sflag:s21], $0x200  }
0x244: {  	[sflag:s21] =	ssyncset.done $0x0  }
0x245: {  	s11 =	simm.s32 $0xC00;
	[sflag:s21] =	ssyncadd.s32 $0xFFFFFE00  }
0x246: {  	_ =	sfence.sel $0x180000  }
0x247: {  	[bflag:$0x0] =	sbarrier.arrive $0xFFFF  }
0x248: {  	_ =	strace $0x90000047  }
0x249: {  	s0 =	stileid.u32;
	[bflag:$0x2] =	sbarrier.arrive $0xFFFF  }
0x24a: {  	p0 =	sne.s32 s0, $0x0;
	s0 =	rddreg [dreg:$0x6]  }
0x24b: {  	s0 =	sadd.s32 @!p0 $0x100000, s0  }
0x24c: {  	[sflag:s0] =	ssyncadd.tile.s32 @!p0 $0x1;
	_ =	shalt  }
.Lfunc_end2:
_tile_overlayer_lowered:
.L_overlay_start_2:
0x24d: {  	(tag) =	ssettag $0x2  }
0x24e: {  	s0 =	rddreg [dreg:$0x0];
	s2 =	stileid.u32  }
0x24f: {  	s1 =	rddreg [dreg:$0x1];
	p0 =	sne.s32 s2, $0x0  }
0x250: {  	s3 =	rddreg [dreg:$0x2];
	[bflag:$0x3] =	sbarrier.arrive $0xFFFF;
	s2 =	simm.s32 @!p0 $0x1C0B  }
0x251: {  	[timem:s3], [sflag:s2] =	dma.local @!p0 [hbm:s0], s1  }
0x252: {  	s0 =	simm.s32 @!p0 $0xB  }
0x253: {  	_ =	swait.ge @!p0 [sflag:s0], s1  }
0x254: {  	s1 =	ssub.s32 @!p0 $0x0, s1;
	[sflag:s0] =	ssyncset.done @!p0 $0x0  }
0x255: {  	[sflag:s0] =	ssyncadd.s32 @!p0 s1  }
0x256: {  	[bflag:$0x3] =	sbarrier.arrive $0xFFFF  }
0x257: {  	_ =	shalt  }

</sc_bundles>
